<compile_context>
chip_gen: v7x
topology: tpu7x:2x2x1
jax: 0.10.2.dev20260603
libtpu: 0.0.44.dev20260713+nightly
codegen_flags: <defaults>
</compile_context>

<pallas_src>
import functools
import jax
import jax.numpy as jnp
from jax import lax
from jax.experimental import pallas as pl
from jax.experimental.pallas import tpu as pltpu
from jax.experimental.pallas import tpu_sc as plsc

_B, _N = 4, 1024
_TD = 256
_RN = 128
_DC = 128
_NG = _DC // 16


def _sc_colmax_body(v5_hbm, x6_hbm, buf, out_v, sem0, sem1):
    wid = lax.axis_index("s") * 2 + lax.axis_index("c")
    b = wid // 8
    d0 = (wid % 8) * _DC
    sems = (sem0, sem1)
    nchunks = _N // _RN
    cps = [None, None]
    cps[0] = pltpu.async_copy(
        v5_hbm.at[b, pl.ds(0, _RN), pl.ds(d0, _DC)], buf.at[0], sem0)
    accs = tuple(jnp.full((16,), -jnp.inf, jnp.float32) for _ in range(_NG))
    for k in range(nchunks):
        slot = k % 2
        if k + 1 < nchunks:
            nslot = (k + 1) % 2
            cps[nslot] = pltpu.async_copy(
                v5_hbm.at[b, pl.ds((k + 1) * _RN, _RN), pl.ds(d0, _DC)],
                buf.at[nslot], sems[nslot])
        cps[slot].wait()

        def row_body(r, a, slot=slot):
            return tuple(
                jnp.maximum(a[j], buf[slot, r, pl.ds(j * 16, 16)])
                for j in range(_NG))

        accs = lax.fori_loop(0, _RN, row_body, accs)
    for j in range(_NG):
        out_v[pl.ds(j * 16, 16)] = accs[j]
    pltpu.sync_copy(out_v, x6_hbm.at[b, pl.ds(d0, _DC)])


def _sc_colmax(v5):
    B, N, D = v5.shape
    mesh = plsc.VectorSubcoreMesh(core_axis_name="c", subcore_axis_name="s")
    k = functools.partial(
        pl.kernel,
        mesh=mesh,
        out_type=jax.ShapeDtypeStruct((B, D), jnp.float32),
        scratch_types=[
            pltpu.VMEM((2, _RN, _DC), jnp.float32),
            pltpu.VMEM((_DC,), jnp.float32),
            pltpu.SemaphoreType.DMA,
            pltpu.SemaphoreType.DMA,
        ],
    )(_sc_colmax_body)
    return k(v5)


def _main_body(x1_ref, v1_ref, v7r_ref, x6_ref, x10_ref, x11_ref, x12_ref):
    x1t = x1_ref[0]
    v1t = v1_ref[0]
    v7t = v7r_ref[0]
    x6v = x6_ref[0, 0]
    x9 = jax.nn.sigmoid(x1t + v7t)
    p = x9 * v1t
    top_a = p * x1t
    x6col = x6v[:, None]
    top_b = p * x6col
    x6b = jnp.broadcast_to(x6col, x1t.shape)
    x10_ref[0, :_N, :] = x1t
    x10_ref[0, _N:, :] = x6b
    x12_ref[0, :_N, :] = x1t + top_a
    x12_ref[0, _N:, :] = x6b + top_b
    x11_ref[0, :, :_N] = top_a.T
    x11_ref[0, :, _N:] = top_b.T


def kernel(x1, v1, v5, v6r, v7r):
    del v6r
    B, N, D = x1.shape

    x6 = _sc_colmax(v5).reshape(B, 1, D)

    strip = pl.BlockSpec((1, N, _TD), lambda b, d: (b, 0, d))
    x10, x11, x12 = pl.pallas_call(
        _main_body,
        grid=(B, D // _TD),
        in_specs=[
            strip,
            strip,
            strip,
            pl.BlockSpec((1, 1, N), lambda b, d: (b, 0, 0)),
        ],
        out_specs=[
            pl.BlockSpec((1, 2 * N, _TD), lambda b, d: (b, 0, d)),
            pl.BlockSpec((1, _TD, 2 * N), lambda b, d: (b, d, 0)),
            pl.BlockSpec((1, 2 * N, _TD), lambda b, d: (b, 0, d)),
        ],
        out_shape=[
            jax.ShapeDtypeStruct((B, 2 * N, D), jnp.float32),
            jax.ShapeDtypeStruct((B, D, 2 * N), jnp.float32),
            jax.ShapeDtypeStruct((B, 2 * N, D), jnp.float32),
        ],
    )(x1, v1, v7r, x6)
    return (x10, x11, x12)

# --- scband reference (transcript-rebuilt; emitter-appended) ---
"""Pipeline reference for scband-model-36000415875805 (READ-ONLY COPY).

The authoritative reference and input builder live on the scoring server;
editing this copy changes nothing except your own understanding.
"""

import jax, jax.numpy as jnp
import numpy as np

B, S = 4, 1024

def setup_inputs(seed: int = 0) -> dict:
    key = jax.random.key(seed)
    k1, k2, k3, k4, k5 = jax.random.split(key, 5)
    x1 = jax.random.normal(k1, (B, S, S), dtype=jnp.float32)
    # rand_like tensors generated inside the torch forward; materialized here as constants
    v1 = jax.random.uniform(k2, (B, S, S), dtype=jnp.float32)
    v5 = jax.random.uniform(k3, (B, S, S), dtype=jnp.float32)   # rand_like(i3)
    v6r = jax.random.uniform(k4, (B, S, S), dtype=jnp.float32)  # rand_like(v1)
    v7r = jax.random.uniform(k5, (B, S, S), dtype=jnp.float32)  # rand_like(x7.permute(0,2,1)); N==D so same shape
    return {"x1": x1, "v1": v1, "v5": v5, "v6r": v6r, "v7r": v7r}

def reference(x1, v1, v5, v6r, v7r):
    Bq, N, D = x1.shape  # N == D
    # x2 = x1.unsqueeze(1); x3, i3 = max(x2, dim=1)  -> x3 == x1 (singleton reduce)
    x2 = x1[:, None, :, :]
    x3 = jnp.max(x2, axis=1)
    # dead branches (v2, v3, v4, first x5, first v6) are overwritten in the original and elided
    # x6, i6 = max(v5, dim=1)
    x6 = jnp.max(v5, axis=1)            # [B, D]
    i6 = jnp.argmax(v5, axis=1)         # [B, D] int
    x5 = x6[:, :, None]                 # x6.unsqueeze(2) -> [B, D, 1]
    # index_select(v6r, dim=1, remainder(i6,3)) generalized to per-batch gather along dim 1
    v6 = jnp.take_along_axis(v6r, jnp.remainder(i6, 3)[:, None, :], axis=1)  # [B,1,D]
    x6b = x6[:, None, :] + v6           # [B,1,D]
    x7 = jax.nn.sigmoid(x6b)
    x7 = v5 * x7                        # v7(=v5.unsqueeze(1)) * sigmoid -> [B,N,D]
    # v7 = rand_like(x7.permute(0,2,1)); x8 = x1 + v7 (N==D so shapes match)
    x8 = x1 + v7r
    x9 = jax.nn.sigmoid(x8)
    # x10 = cat([x3, x5], dim=1); x5 broadcast along last dim for shape consistency
    x10 = jnp.concatenate([x3, jnp.broadcast_to(x5, (Bq, D, D))], axis=1)  # [B,2D,D]
    v10 = jnp.tile(v1, (1, 2, 1)) * x10
    x11 = jnp.tile(x9, (1, 2, 1)) * v10
    x11 = jnp.transpose(x11, (0, 2, 1))
    v11 = jnp.transpose(x11, (0, 2, 1))
    x12 = x10 + v11
    return (x10, x11, x12)

if __name__ == "__main__":
    import jax
    _d = setup_inputs()
    print(jax.jit(kernel)(*tuple(_d.values())))

</pallas_src>

<mosaic_0001>
#map = affine_map<(d0, d1) -> (0, 0, 0)>
#map1 = affine_map<(d0, d1) -> (0, 0)>
module attributes {stable_mosaic.version = 14 : i64} {
  func.func @_sc_colmax_body(%arg0: i32, %arg1: i32, %arg2: memref<4x1024x1024xf32, #tpu.memory_space<hbm>>, %arg3: memref<4x1024xf32, #tpu.memory_space<hbm>>, %arg4: memref<2x128x128xf32, #tpu.memory_space<vmem>>, %arg5: memref<128xf32, #tpu.memory_space<vmem>>, %arg6: memref<!tpu.dma_semaphore, #tpu.memory_space<semaphore_mem>>, %arg7: memref<!tpu.dma_semaphore, #tpu.memory_space<semaphore_mem>>) attributes {dimension_semantics = [#tpu.dimension_semantics<core_parallel>, #tpu.dimension_semantics<subcore_parallel>], iteration_bounds = array<i64: 2, 16>, scalar_prefetch = 0 : i64, scratch_operands = 4 : i64, tpu.core_type = #tpu.core_type<sc_vector_subcore>, window_params = [{transform_indices = #map}, {transform_indices = #map1}]} {
    %mul3A = arith.constant 2 : i32
    %mul3A_0 = arith.muli %arg1, %mul3A : i32
    %add3A = arith.addi %mul3A_0, %arg0 : i32
    %jit3A = arith.constant 8 : i32
    %div3A = arith.divsi %add3A, %jit3A : i32
    %sign3A = arith.constant 0 : i32
    %sign3A_1 = arith.cmpi sgt, %add3A, %sign3A : i32
    %sign3A_2 = arith.extui %sign3A_1 : i1 to i32
    %sign3A_3 = arith.constant 0 : i32
    %sign3A_4 = arith.cmpi slt, %add3A, %sign3A_3 : i32
    %sign3A_5 = arith.extui %sign3A_4 : i1 to i32
    %sign3A_6 = arith.subi %sign3A_2, %sign3A_5 : i32
    %sign3A_7 = arith.constant 0 : i32
    %sign3A_8 = arith.cmpi sgt, %jit3A, %sign3A_7 : i32
    %sign3A_9 = arith.extui %sign3A_8 : i1 to i32
    %sign3A_10 = arith.constant 0 : i32
    %sign3A_11 = arith.cmpi slt, %jit3A, %sign3A_10 : i32
    %sign3A_12 = arith.extui %sign3A_11 : i1 to i32
    %sign3A_13 = arith.subi %sign3A_9, %sign3A_12 : i32
    %ne3A = arith.cmpi ne, %sign3A_6, %sign3A_13 : i32
    %rem3A = arith.remsi %add3A, %jit3A : i32
    %ne3A_14 = arith.constant 0 : i32
    %ne3A_15 = arith.cmpi ne, %rem3A, %ne3A_14 : i32
    %and3A = arith.andi %ne3A, %ne3A_15 : i1
    %sub3A = arith.constant 1 : i32
    %sub3A_16 = arith.subi %div3A, %sub3A : i32
    %select_n3A = arith.select %and3A, %sub3A_16, %div3A : i32
    %jit3A_17 = arith.constant 8 : i32
    %eq3A = arith.constant 0 : i32
    %eq3A_18 = arith.cmpi eq, %jit3A_17, %eq3A : i32
    %jit3A_19 = arith.constant 1 : i32
    %select_n3A_20 = arith.select %eq3A_18, %jit3A_19, %jit3A_17 : i32
    %rem3A_21 = arith.remsi %add3A, %select_n3A_20 : i32
    %ne3A_22 = arith.constant 0 : i32
    %ne3A_23 = arith.cmpi ne, %rem3A_21, %ne3A_22 : i32
    %lt3A = arith.constant 0 : i32
    %lt3A_24 = arith.cmpi slt, %rem3A_21, %lt3A : i32
    %lt3A_25 = arith.constant 0 : i32
    %lt3A_26 = arith.cmpi slt, %select_n3A_20, %lt3A_25 : i32
    %ne3A_27 = arith.xori %lt3A_24, %lt3A_26 : i1
    %and3A_28 = arith.andi %ne3A_27, %ne3A_23 : i1
    %add3A_29 = arith.addi %rem3A_21, %select_n3A_20 : i32
    %select_n3A_30 = arith.select %and3A_28, %add3A_29, %rem3A_21 : i32
    %mul3A_31 = arith.constant 128 : i32
    %mul3A_32 = arith.muli %select_n3A_30, %mul3A_31 : i32
    %dma_start3A = arith.constant 0 : i32
    %dma_start3A_33 = arith.constant 0 : i32
    %dma_start3A_34 = arith.constant 0 : i32
    %dma_start3A_35 = tpu.memref_slice %arg4[%dma_start3A, %dma_start3A_33, %dma_start3A_34] : memref<2x128x128xf32, #tpu.memory_space<vmem>> -> memref<1x128x128xf32, #tpu.memory_space<vmem>>
    %dma_start3A_36 = tpu.memref_squeeze %dma_start3A_35 : memref<1x128x128xf32, #tpu.memory_space<vmem>> -> memref<128x128xf32, #tpu.memory_space<vmem>>
    %dma_start3A_37 = arith.constant 0 : i32
    %dma_start3A_38 = tpu.memref_slice %arg2[%select_n3A, %dma_start3A_37, %mul3A_32] : memref<4x1024x1024xf32, #tpu.memory_space<hbm>> -> memref<1x128x128xf32, #tpu.memory_space<hbm>>
    %dma_start3A_39 = tpu.memref_squeeze %dma_start3A_38 : memref<1x128x128xf32, #tpu.memory_space<hbm>> -> memref<128x128xf32, #tpu.memory_space<hbm>>
    %dma_start3A_40 = arith.constant 0 : i32
    %dma_start3A_41 = arith.constant 0 : i32
    %dma_start3A_42 = tpu.memref_slice %arg4[%dma_start3A, %dma_start3A_40, %dma_start3A_41] : memref<2x128x128xf32, #tpu.memory_space<vmem>> -> memref<1x128x128xf32, #tpu.memory_space<vmem>>
    %dma_start3A_43 = tpu.memref_squeeze %dma_start3A_42 : memref<1x128x128xf32, #tpu.memory_space<vmem>> -> memref<128x128xf32, #tpu.memory_space<vmem>>
    %dma_start3A_44 = arith.constant 0 : i32
    %dma_start3A_45 = tpu.memref_slice %arg2[%select_n3A, %dma_start3A_44, %mul3A_32] : memref<4x1024x1024xf32, #tpu.memory_space<hbm>> -> memref<1x128x128xf32, #tpu.memory_space<hbm>>
    %dma_start3A_46 = tpu.memref_squeeze %dma_start3A_45 : memref<1x128x128xf32, #tpu.memory_space<hbm>> -> memref<128x128xf32, #tpu.memory_space<hbm>>
    tpu.enqueue_dma source(%dma_start3A_46 : memref<128x128xf32, #tpu.memory_space<hbm>>) target(%dma_start3A_43 : memref<128x128xf32, #tpu.memory_space<vmem>>) target_semaphore(%arg6 : memref<!tpu.dma_semaphore, #tpu.memory_space<semaphore_mem>>)
    %broadcast_in_dim3A = arith.constant 0xFF800000 : f32
    %broadcast_in_dim3A_47 = vector.broadcast %broadcast_in_dim3A : f32 to vector<16xf32>
    %broadcast_in_dim3A_48 = arith.constant 0xFF800000 : f32
    %broadcast_in_dim3A_49 = vector.broadcast %broadcast_in_dim3A_48 : f32 to vector<16xf32>
    %broadcast_in_dim3A_50 = arith.constant 0xFF800000 : f32
    %broadcast_in_dim3A_51 = vector.broadcast %broadcast_in_dim3A_50 : f32 to vector<16xf32>
    %broadcast_in_dim3A_52 = arith.constant 0xFF800000 : f32
    %broadcast_in_dim3A_53 = vector.broadcast %broadcast_in_dim3A_52 : f32 to vector<16xf32>
    %broadcast_in_dim3A_54 = arith.constant 0xFF800000 : f32
    %broadcast_in_dim3A_55 = vector.broadcast %broadcast_in_dim3A_54 : f32 to vector<16xf32>
    %broadcast_in_dim3A_56 = arith.constant 0xFF800000 : f32
    %broadcast_in_dim3A_57 = vector.broadcast %broadcast_in_dim3A_56 : f32 to vector<16xf32>
    %broadcast_in_dim3A_58 = arith.constant 0xFF800000 : f32
    %broadcast_in_dim3A_59 = vector.broadcast %broadcast_in_dim3A_58 : f32 to vector<16xf32>
    %broadcast_in_dim3A_60 = arith.constant 0xFF800000 : f32
    %broadcast_in_dim3A_61 = vector.broadcast %broadcast_in_dim3A_60 : f32 to vector<16xf32>
    %dma_start3A_62 = arith.constant 1 : i32
    %dma_start3A_63 = arith.constant 0 : i32
    %dma_start3A_64 = arith.constant 0 : i32
    %dma_start3A_65 = tpu.memref_slice %arg4[%dma_start3A_62, %dma_start3A_63, %dma_start3A_64] : memref<2x128x128xf32, #tpu.memory_space<vmem>> -> memref<1x128x128xf32, #tpu.memory_space<vmem>>
    %dma_start3A_66 = tpu.memref_squeeze %dma_start3A_65 : memref<1x128x128xf32, #tpu.memory_space<vmem>> -> memref<128x128xf32, #tpu.memory_space<vmem>>
    %dma_start3A_67 = arith.constant 128 : i32
    %dma_start3A_68 = tpu.memref_slice %arg2[%select_n3A, %dma_start3A_67, %mul3A_32] : memref<4x1024x1024xf32, #tpu.memory_space<hbm>> -> memref<1x128x128xf32, #tpu.memory_space<hbm>>
    %dma_start3A_69 = tpu.memref_squeeze %dma_start3A_68 : memref<1x128x128xf32, #tpu.memory_space<hbm>> -> memref<128x128xf32, #tpu.memory_space<hbm>>
    %dma_start3A_70 = arith.constant 0 : i32
    %dma_start3A_71 = arith.constant 0 : i32
    %dma_start3A_72 = tpu.memref_slice %arg4[%dma_start3A_62, %dma_start3A_70, %dma_start3A_71] : memref<2x128x128xf32, #tpu.memory_space<vmem>> -> memref<1x128x128xf32, #tpu.memory_space<vmem>>
    %dma_start3A_73 = tpu.memref_squeeze %dma_start3A_72 : memref<1x128x128xf32, #tpu.memory_space<vmem>> -> memref<128x128xf32, #tpu.memory_space<vmem>>
    %dma_start3A_74 = arith.constant 128 : i32
    %dma_start3A_75 = tpu.memref_slice %arg2[%select_n3A, %dma_start3A_74, %mul3A_32] : memref<4x1024x1024xf32, #tpu.memory_space<hbm>> -> memref<1x128x128xf32, #tpu.memory_space<hbm>>
    %dma_start3A_76 = tpu.memref_squeeze %dma_start3A_75 : memref<1x128x128xf32, #tpu.memory_space<hbm>> -> memref<128x128xf32, #tpu.memory_space<hbm>>
    tpu.enqueue_dma source(%dma_start3A_76 : memref<128x128xf32, #tpu.memory_space<hbm>>) target(%dma_start3A_73 : memref<128x128xf32, #tpu.memory_space<vmem>>) target_semaphore(%arg7 : memref<!tpu.dma_semaphore, #tpu.memory_space<semaphore_mem>>)
    %dma_wait3A = arith.constant 0 : i32
    %dma_wait3A_77 = arith.constant 0 : i32
    %dma_wait3A_78 = arith.constant 0 : i32
    %dma_wait3A_79 = tpu.memref_slice %arg4[%dma_wait3A, %dma_wait3A_77, %dma_wait3A_78] : memref<2x128x128xf32, #tpu.memory_space<vmem>> -> memref<1x128x128xf32, #tpu.memory_space<vmem>>
    %dma_wait3A_80 = tpu.memref_squeeze %dma_wait3A_79 : memref<1x128x128xf32, #tpu.memory_space<vmem>> -> memref<128x128xf32, #tpu.memory_space<vmem>>
    %dma_wait3A_81 = arith.constant 0 : i32
    %dma_wait3A_82 = tpu.memref_slice %arg2[%select_n3A, %dma_wait3A_81, %mul3A_32] : memref<4x1024x1024xf32, #tpu.memory_space<hbm>> -> memref<1x128x128xf32, #tpu.memory_space<hbm>>
    %dma_wait3A_83 = tpu.memref_squeeze %dma_wait3A_82 : memref<1x128x128xf32, #tpu.memory_space<hbm>> -> memref<128x128xf32, #tpu.memory_space<hbm>>
    %dma_wait3A_84 = arith.constant 0 : i32
    %dma_wait3A_85 = arith.constant 0 : i32
    %dma_wait3A_86 = tpu.memref_slice %arg4[%dma_wait3A, %dma_wait3A_84, %dma_wait3A_85] : memref<2x128x128xf32, #tpu.memory_space<vmem>> -> memref<1x128x128xf32, #tpu.memory_space<vmem>>
    %dma_wait3A_87 = tpu.memref_squeeze %dma_wait3A_86 : memref<1x128x128xf32, #tpu.memory_space<vmem>> -> memref<128x128xf32, #tpu.memory_space<vmem>>
    %dma_wait3A_88 = arith.constant 0 : i32
    %dma_wait3A_89 = tpu.memref_slice %arg2[%select_n3A, %dma_wait3A_88, %mul3A_32] : memref<4x1024x1024xf32, #tpu.memory_space<hbm>> -> memref<1x128x128xf32, #tpu.memory_space<hbm>>
    %dma_wait3A_90 = tpu.memref_squeeze %dma_wait3A_89 : memref<1x128x128xf32, #tpu.memory_space<hbm>> -> memref<128x128xf32, #tpu.memory_space<hbm>>
    tpu.wait_dma2 semaphore(%arg6 : memref<!tpu.dma_semaphore, #tpu.memory_space<semaphore_mem>>) src(%dma_wait3A_90 : memref<128x128xf32, #tpu.memory_space<hbm>>) dst(%dma_wait3A_87 : memref<128x128xf32, #tpu.memory_space<vmem>>)
    %scan3A = arith.constant 0 : i32
    %scan3A_91 = arith.constant 128 : i32
    %scan3A_92 = arith.addi %scan3A, %scan3A_91 : i32
    %scan3A_93 = arith.constant 1 : i32
    %scan3A_94:8 = scf.for %scan3A_364 = %scan3A to %scan3A_92 step %scan3A_93 iter_args(%scan3A_365 = %broadcast_in_dim3A_47, %scan3A_366 = %broadcast_in_dim3A_49, %scan3A_367 = %broadcast_in_dim3A_51, %scan3A_368 = %broadcast_in_dim3A_53, %scan3A_369 = %broadcast_in_dim3A_55, %scan3A_370 = %broadcast_in_dim3A_57, %scan3A_371 = %broadcast_in_dim3A_59, %scan3A_372 = %broadcast_in_dim3A_61) -> (vector<16xf32>, vector<16xf32>, vector<16xf32>, vector<16xf32>, vector<16xf32>, vector<16xf32>, vector<16xf32>, vector<16xf32>)  : i32 {
      %get3A = arith.constant 0 : i32
      %get3A_373 = arith.index_cast %get3A : i32 to index
      %get3A_374 = arith.index_cast %scan3A_364 : i32 to index
      %get3A_375 = arith.constant 0 : index
      %get3A_376 = tpu.vector_load %arg4[%get3A_373, %get3A_374, %get3A_375] {strides = array<i32>} : memref<2x128x128xf32, #tpu.memory_space<vmem>>, vector<1x1x16xf32>,
      %get3A_377 = vector.shape_cast %get3A_376 : vector<1x1x16xf32> to vector<16xf32>
      %max3A = arith.maximumf %scan3A_365, %get3A_377 : vector<16xf32>
      %get3A_378 = arith.constant 0 : i32
      %get3A_379 = arith.index_cast %get3A_378 : i32 to index
      %get3A_380 = arith.index_cast %scan3A_364 : i32 to index
      %get3A_381 = arith.constant 16 : index
      %get3A_382 = tpu.vector_load %arg4[%get3A_379, %get3A_380, %get3A_381] {strides = array<i32>} : memref<2x128x128xf32, #tpu.memory_space<vmem>>, vector<1x1x16xf32>,
      %get3A_383 = vector.shape_cast %get3A_382 : vector<1x1x16xf32> to vector<16xf32>
      %max3A_384 = arith.maximumf %scan3A_366, %get3A_383 : vector<16xf32>
      %get3A_385 = arith.constant 0 : i32
      %get3A_386 = arith.index_cast %get3A_385 : i32 to index
      %get3A_387 = arith.index_cast %scan3A_364 : i32 to index
      %get3A_388 = arith.constant 32 : index
      %get3A_389 = tpu.vector_load %arg4[%get3A_386, %get3A_387, %get3A_388] {strides = array<i32>} : memref<2x128x128xf32, #tpu.memory_space<vmem>>, vector<1x1x16xf32>,
      %get3A_390 = vector.shape_cast %get3A_389 : vector<1x1x16xf32> to vector<16xf32>
      %max3A_391 = arith.maximumf %scan3A_367, %get3A_390 : vector<16xf32>
      %get3A_392 = arith.constant 0 : i32
      %get3A_393 = arith.index_cast %get3A_392 : i32 to index
      %get3A_394 = arith.index_cast %scan3A_364 : i32 to index
      %get3A_395 = arith.constant 48 : index
      %get3A_396 = tpu.vector_load %arg4[%get3A_393, %get3A_394, %get3A_395] {strides = array<i32>} : memref<2x128x128xf32, #tpu.memory_space<vmem>>, vector<1x1x16xf32>,
      %get3A_397 = vector.shape_cast %get3A_396 : vector<1x1x16xf32> to vector<16xf32>
      %max3A_398 = arith.maximumf %scan3A_368, %get3A_397 : vector<16xf32>
      %get3A_399 = arith.constant 0 : i32
      %get3A_400 = arith.index_cast %get3A_399 : i32 to index
      %get3A_401 = arith.index_cast %scan3A_364 : i32 to index
      %get3A_402 = arith.constant 64 : index
      %get3A_403 = tpu.vector_load %arg4[%get3A_400, %get3A_401, %get3A_402] {strides = array<i32>} : memref<2x128x128xf32, #tpu.memory_space<vmem>>, vector<1x1x16xf32>,
      %get3A_404 = vector.shape_cast %get3A_403 : vector<1x1x16xf32> to vector<16xf32>
      %max3A_405 = arith.maximumf %scan3A_369, %get3A_404 : vector<16xf32>
      %get3A_406 = arith.constant 0 : i32
      %get3A_407 = arith.index_cast %get3A_406 : i32 to index
      %get3A_408 = arith.index_cast %scan3A_364 : i32 to index
      %get3A_409 = arith.constant 80 : index
      %get3A_410 = tpu.vector_load %arg4[%get3A_407, %get3A_408, %get3A_409] {strides = array<i32>} : memref<2x128x128xf32, #tpu.memory_space<vmem>>, vector<1x1x16xf32>,
      %get3A_411 = vector.shape_cast %get3A_410 : vector<1x1x16xf32> to vector<16xf32>
      %max3A_412 = arith.maximumf %scan3A_370, %get3A_411 : vector<16xf32>
      %get3A_413 = arith.constant 0 : i32
      %get3A_414 = arith.index_cast %get3A_413 : i32 to index
      %get3A_415 = arith.index_cast %scan3A_364 : i32 to index
      %get3A_416 = arith.constant 96 : index
      %get3A_417 = tpu.vector_load %arg4[%get3A_414, %get3A_415, %get3A_416] {strides = array<i32>} : memref<2x128x128xf32, #tpu.memory_space<vmem>>, vector<1x1x16xf32>,
      %get3A_418 = vector.shape_cast %get3A_417 : vector<1x1x16xf32> to vector<16xf32>
      %max3A_419 = arith.maximumf %scan3A_371, %get3A_418 : vector<16xf32>
      %get3A_420 = arith.constant 0 : i32
      %get3A_421 = arith.index_cast %get3A_420 : i32 to index
      %get3A_422 = arith.index_cast %scan3A_364 : i32 to index
      %get3A_423 = arith.constant 112 : index
      %get3A_424 = tpu.vector_load %arg4[%get3A_421, %get3A_422, %get3A_423] {strides = array<i32>} : memref<2x128x128xf32, #tpu.memory_space<vmem>>, vector<1x1x16xf32>,
      %get3A_425 = vector.shape_cast %get3A_424 : vector<1x1x16xf32> to vector<16xf32>
      %max3A_426 = arith.maximumf %scan3A_372, %get3A_425 : vector<16xf32>
      scf.yield %max3A, %max3A_384, %max3A_391, %max3A_398, %max3A_405, %max3A_412, %max3A_419, %max3A_426 : vector<16xf32>, vector<16xf32>, vector<16xf32>, vector<16xf32>, vector<16xf32>, vector<16xf32>, vector<16xf32>, vector<16xf32>
    }
    %scan3A_95 = arith.constant 128 : i32
    %dma_start3A_96 = arith.constant 0 : i32
    %dma_start3A_97 = arith.constant 0 : i32
    %dma_start3A_98 = arith.constant 0 : i32
    %dma_start3A_99 = tpu.memref_slice %arg4[%dma_start3A_96, %dma_start3A_97, %dma_start3A_98] : memref<2x128x128xf32, #tpu.memory_space<vmem>> -> memref<1x128x128xf32, #tpu.memory_space<vmem>>
    %dma_start3A_100 = tpu.memref_squeeze %dma_start3A_99 : memref<1x128x128xf32, #tpu.memory_space<vmem>> -> memref<128x128xf32, #tpu.memory_space<vmem>>
    %dma_start3A_101 = arith.constant 256 : i32
    %dma_start3A_102 = tpu.memref_slice %arg2[%select_n3A, %dma_start3A_101, %mul3A_32] : memref<4x1024x1024xf32, #tpu.memory_space<hbm>> -> memref<1x128x128xf32, #tpu.memory_space<hbm>>
    %dma_start3A_103 = tpu.memref_squeeze %dma_start3A_102 : memref<1x128x128xf32, #tpu.memory_space<hbm>> -> memref<128x128xf32, #tpu.memory_space<hbm>>
    %dma_start3A_104 = arith.constant 0 : i32
    %dma_start3A_105 = arith.constant 0 : i32
    %dma_start3A_106 = tpu.memref_slice %arg4[%dma_start3A_96, %dma_start3A_104, %dma_start3A_105] : memref<2x128x128xf32, #tpu.memory_space<vmem>> -> memref<1x128x128xf32, #tpu.memory_space<vmem>>
    %dma_start3A_107 = tpu.memref_squeeze %dma_start3A_106 : memref<1x128x128xf32, #tpu.memory_space<vmem>> -> memref<128x128xf32, #tpu.memory_space<vmem>>
    %dma_start3A_108 = arith.constant 256 : i32
    %dma_start3A_109 = tpu.memref_slice %arg2[%select_n3A, %dma_start3A_108, %mul3A_32] : memref<4x1024x1024xf32, #tpu.memory_space<hbm>> -> memref<1x128x128xf32, #tpu.memory_space<hbm>>
    %dma_start3A_110 = tpu.memref_squeeze %dma_start3A_109 : memref<1x128x128xf32, #tpu.memory_space<hbm>> -> memref<128x128xf32, #tpu.memory_space<hbm>>
    tpu.enqueue_dma source(%dma_start3A_110 : memref<128x128xf32, #tpu.memory_space<hbm>>) target(%dma_start3A_107 : memref<128x128xf32, #tpu.memory_space<vmem>>) target_semaphore(%arg6 : memref<!tpu.dma_semaphore, #tpu.memory_space<semaphore_mem>>)
    %dma_wait3A_111 = arith.constant 1 : i32
    %dma_wait3A_112 = arith.constant 0 : i32
    %dma_wait3A_113 = arith.constant 0 : i32
    %dma_wait3A_114 = tpu.memref_slice %arg4[%dma_wait3A_111, %dma_wait3A_112, %dma_wait3A_113] : memref<2x128x128xf32, #tpu.memory_space<vmem>> -> memref<1x128x128xf32, #tpu.memory_space<vmem>>
    %dma_wait3A_115 = tpu.memref_squeeze %dma_wait3A_114 : memref<1x128x128xf32, #tpu.memory_space<vmem>> -> memref<128x128xf32, #tpu.memory_space<vmem>>
    %dma_wait3A_116 = arith.constant 128 : i32
    %dma_wait3A_117 = tpu.memref_slice %arg2[%select_n3A, %dma_wait3A_116, %mul3A_32] : memref<4x1024x1024xf32, #tpu.memory_space<hbm>> -> memref<1x128x128xf32, #tpu.memory_space<hbm>>
    %dma_wait3A_118 = tpu.memref_squeeze %dma_wait3A_117 : memref<1x128x128xf32, #tpu.memory_space<hbm>> -> memref<128x128xf32, #tpu.memory_space<hbm>>
    %dma_wait3A_119 = arith.constant 0 : i32
    %dma_wait3A_120 = arith.constant 0 : i32
    %dma_wait3A_121 = tpu.memref_slice %arg4[%dma_wait3A_111, %dma_wait3A_119, %dma_wait3A_120] : memref<2x128x128xf32, #tpu.memory_space<vmem>> -> memref<1x128x128xf32, #tpu.memory_space<vmem>>
    %dma_wait3A_122 = tpu.memref_squeeze %dma_wait3A_121 : memref<1x128x128xf32, #tpu.memory_space<vmem>> -> memref<128x128xf32, #tpu.memory_space<vmem>>
    %dma_wait3A_123 = arith.constant 128 : i32
    %dma_wait3A_124 = tpu.memref_slice %arg2[%select_n3A, %dma_wait3A_123, %mul3A_32] : memref<4x1024x1024xf32, #tpu.memory_space<hbm>> -> memref<1x128x128xf32, #tpu.memory_space<hbm>>
    %dma_wait3A_125 = tpu.memref_squeeze %dma_wait3A_124 : memref<1x128x128xf32, #tpu.memory_space<hbm>> -> memref<128x128xf32, #tpu.memory_space<hbm>>
    tpu.wait_dma2 semaphore(%arg7 : memref<!tpu.dma_semaphore, #tpu.memory_space<semaphore_mem>>) src(%dma_wait3A_125 : memref<128x128xf32, #tpu.memory_space<hbm>>) dst(%dma_wait3A_122 : memref<128x128xf32, #tpu.memory_space<vmem>>)
    %scan3A_126 = arith.constant 0 : i32
    %scan3A_127 = arith.constant 128 : i32
    %scan3A_128 = arith.addi %scan3A_126, %scan3A_127 : i32
    %scan3A_129 = arith.constant 1 : i32
    %scan3A_130:8 = scf.for %scan3A_364 = %scan3A_126 to %scan3A_128 step %scan3A_129 iter_args(%scan3A_365 = %scan3A_94#0, %scan3A_366 = %scan3A_94#1, %scan3A_367 = %scan3A_94#2, %scan3A_368 = %scan3A_94#3, %scan3A_369 = %scan3A_94#4, %scan3A_370 = %scan3A_94#5, %scan3A_371 = %scan3A_94#6, %scan3A_372 = %scan3A_94#7) -> (vector<16xf32>, vector<16xf32>, vector<16xf32>, vector<16xf32>, vector<16xf32>, vector<16xf32>, vector<16xf32>, vector<16xf32>)  : i32 {
      %get3A = arith.constant 1 : i32
      %get3A_373 = arith.index_cast %get3A : i32 to index
      %get3A_374 = arith.index_cast %scan3A_364 : i32 to index
      %get3A_375 = arith.constant 0 : index
      %get3A_376 = tpu.vector_load %arg4[%get3A_373, %get3A_374, %get3A_375] {strides = array<i32>} : memref<2x128x128xf32, #tpu.memory_space<vmem>>, vector<1x1x16xf32>,
      %get3A_377 = vector.shape_cast %get3A_376 : vector<1x1x16xf32> to vector<16xf32>
      %max3A = arith.maximumf %scan3A_365, %get3A_377 : vector<16xf32>
      %get3A_378 = arith.constant 1 : i32
      %get3A_379 = arith.index_cast %get3A_378 : i32 to index
      %get3A_380 = arith.index_cast %scan3A_364 : i32 to index
      %get3A_381 = arith.constant 16 : index
      %get3A_382 = tpu.vector_load %arg4[%get3A_379, %get3A_380, %get3A_381] {strides = array<i32>} : memref<2x128x128xf32, #tpu.memory_space<vmem>>, vector<1x1x16xf32>,
      %get3A_383 = vector.shape_cast %get3A_382 : vector<1x1x16xf32> to vector<16xf32>
      %max3A_384 = arith.maximumf %scan3A_366, %get3A_383 : vector<16xf32>
      %get3A_385 = arith.constant 1 : i32
      %get3A_386 = arith.index_cast %get3A_385 : i32 to index
      %get3A_387 = arith.index_cast %scan3A_364 : i32 to index
      %get3A_388 = arith.constant 32 : index
      %get3A_389 = tpu.vector_load %arg4[%get3A_386, %get3A_387, %get3A_388] {strides = array<i32>} : memref<2x128x128xf32, #tpu.memory_space<vmem>>, vector<1x1x16xf32>,
      %get3A_390 = vector.shape_cast %get3A_389 : vector<1x1x16xf32> to vector<16xf32>
      %max3A_391 = arith.maximumf %scan3A_367, %get3A_390 : vector<16xf32>
      %get3A_392 = arith.constant 1 : i32
      %get3A_393 = arith.index_cast %get3A_392 : i32 to index
      %get3A_394 = arith.index_cast %scan3A_364 : i32 to index
      %get3A_395 = arith.constant 48 : index
      %get3A_396 = tpu.vector_load %arg4[%get3A_393, %get3A_394, %get3A_395] {strides = array<i32>} : memref<2x128x128xf32, #tpu.memory_space<vmem>>, vector<1x1x16xf32>,
      %get3A_397 = vector.shape_cast %get3A_396 : vector<1x1x16xf32> to vector<16xf32>
      %max3A_398 = arith.maximumf %scan3A_368, %get3A_397 : vector<16xf32>
      %get3A_399 = arith.constant 1 : i32
      %get3A_400 = arith.index_cast %get3A_399 : i32 to index
      %get3A_401 = arith.index_cast %scan3A_364 : i32 to index
      %get3A_402 = arith.constant 64 : index
      %get3A_403 = tpu.vector_load %arg4[%get3A_400, %get3A_401, %get3A_402] {strides = array<i32>} : memref<2x128x128xf32, #tpu.memory_space<vmem>>, vector<1x1x16xf32>,
      %get3A_404 = vector.shape_cast %get3A_403 : vector<1x1x16xf32> to vector<16xf32>
      %max3A_405 = arith.maximumf %scan3A_369, %get3A_404 : vector<16xf32>
      %get3A_406 = arith.constant 1 : i32
      %get3A_407 = arith.index_cast %get3A_406 : i32 to index
      %get3A_408 = arith.index_cast %scan3A_364 : i32 to index
      %get3A_409 = arith.constant 80 : index
      %get3A_410 = tpu.vector_load %arg4[%get3A_407, %get3A_408, %get3A_409] {strides = array<i32>} : memref<2x128x128xf32, #tpu.memory_space<vmem>>, vector<1x1x16xf32>,
      %get3A_411 = vector.shape_cast %get3A_410 : vector<1x1x16xf32> to vector<16xf32>
      %max3A_412 = arith.maximumf %scan3A_370, %get3A_411 : vector<16xf32>
      %get3A_413 = arith.constant 1 : i32
      %get3A_414 = arith.index_cast %get3A_413 : i32 to index
      %get3A_415 = arith.index_cast %scan3A_364 : i32 to index
      %get3A_416 = arith.constant 96 : index
      %get3A_417 = tpu.vector_load %arg4[%get3A_414, %get3A_415, %get3A_416] {strides = array<i32>} : memref<2x128x128xf32, #tpu.memory_space<vmem>>, vector<1x1x16xf32>,
      %get3A_418 = vector.shape_cast %get3A_417 : vector<1x1x16xf32> to vector<16xf32>
      %max3A_419 = arith.maximumf %scan3A_371, %get3A_418 : vector<16xf32>
      %get3A_420 = arith.constant 1 : i32
      %get3A_421 = arith.index_cast %get3A_420 : i32 to index
      %get3A_422 = arith.index_cast %scan3A_364 : i32 to index
      %get3A_423 = arith.constant 112 : index
      %get3A_424 = tpu.vector_load %arg4[%get3A_421, %get3A_422, %get3A_423] {strides = array<i32>} : memref<2x128x128xf32, #tpu.memory_space<vmem>>, vector<1x1x16xf32>,
      %get3A_425 = vector.shape_cast %get3A_424 : vector<1x1x16xf32> to vector<16xf32>
      %max3A_426 = arith.maximumf %scan3A_372, %get3A_425 : vector<16xf32>
      scf.yield %max3A, %max3A_384, %max3A_391, %max3A_398, %max3A_405, %max3A_412, %max3A_419, %max3A_426 : vector<16xf32>, vector<16xf32>, vector<16xf32>, vector<16xf32>, vector<16xf32>, vector<16xf32>, vector<16xf32>, vector<16xf32>
    }
    %scan3A_131 = arith.constant 128 : i32
    %dma_start3A_132 = arith.constant 1 : i32
    %dma_start3A_133 = arith.constant 0 : i32
    %dma_start3A_134 = arith.constant 0 : i32
    %dma_start3A_135 = tpu.memref_slice %arg4[%dma_start3A_132, %dma_start3A_133, %dma_start3A_134] : memref<2x128x128xf32, #tpu.memory_space<vmem>> -> memref<1x128x128xf32, #tpu.memory_space<vmem>>
    %dma_start3A_136 = tpu.memref_squeeze %dma_start3A_135 : memref<1x128x128xf32, #tpu.memory_space<vmem>> -> memref<128x128xf32, #tpu.memory_space<vmem>>
    %dma_start3A_137 = arith.constant 384 : i32
    %dma_start3A_138 = tpu.memref_slice %arg2[%select_n3A, %dma_start3A_137, %mul3A_32] : memref<4x1024x1024xf32, #tpu.memory_space<hbm>> -> memref<1x128x128xf32, #tpu.memory_space<hbm>>
    %dma_start3A_139 = tpu.memref_squeeze %dma_start3A_138 : memref<1x128x128xf32, #tpu.memory_space<hbm>> -> memref<128x128xf32, #tpu.memory_space<hbm>>
    %dma_start3A_140 = arith.constant 0 : i32
    %dma_start3A_141 = arith.constant 0 : i32
    %dma_start3A_142 = tpu.memref_slice %arg4[%dma_start3A_132, %dma_start3A_140, %dma_start3A_141] : memref<2x128x128xf32, #tpu.memory_space<vmem>> -> memref<1x128x128xf32, #tpu.memory_space<vmem>>
    %dma_start3A_143 = tpu.memref_squeeze %dma_start3A_142 : memref<1x128x128xf32, #tpu.memory_space<vmem>> -> memref<128x128xf32, #tpu.memory_space<vmem>>
    %dma_start3A_144 = arith.constant 384 : i32
    %dma_start3A_145 = tpu.memref_slice %arg2[%select_n3A, %dma_start3A_144, %mul3A_32] : memref<4x1024x1024xf32, #tpu.memory_space<hbm>> -> memref<1x128x128xf32, #tpu.memory_space<hbm>>
    %dma_start3A_146 = tpu.memref_squeeze %dma_start3A_145 : memref<1x128x128xf32, #tpu.memory_space<hbm>> -> memref<128x128xf32, #tpu.memory_space<hbm>>
    tpu.enqueue_dma source(%dma_start3A_146 : memref<128x128xf32, #tpu.memory_space<hbm>>) target(%dma_start3A_143 : memref<128x128xf32, #tpu.memory_space<vmem>>) target_semaphore(%arg7 : memref<!tpu.dma_semaphore, #tpu.memory_space<semaphore_mem>>)
    %dma_wait3A_147 = arith.constant 0 : i32
    %dma_wait3A_148 = arith.constant 0 : i32
    %dma_wait3A_149 = arith.constant 0 : i32
    %dma_wait3A_150 = tpu.memref_slice %arg4[%dma_wait3A_147, %dma_wait3A_148, %dma_wait3A_149] : memref<2x128x128xf32, #tpu.memory_space<vmem>> -> memref<1x128x128xf32, #tpu.memory_space<vmem>>
    %dma_wait3A_151 = tpu.memref_squeeze %dma_wait3A_150 : memref<1x128x128xf32, #tpu.memory_space<vmem>> -> memref<128x128xf32, #tpu.memory_space<vmem>>
    %dma_wait3A_152 = arith.constant 256 : i32
    %dma_wait3A_153 = tpu.memref_slice %arg2[%select_n3A, %dma_wait3A_152, %mul3A_32] : memref<4x1024x1024xf32, #tpu.memory_space<hbm>> -> memref<1x128x128xf32, #tpu.memory_space<hbm>>
    %dma_wait3A_154 = tpu.memref_squeeze %dma_wait3A_153 : memref<1x128x128xf32, #tpu.memory_space<hbm>> -> memref<128x128xf32, #tpu.memory_space<hbm>>
    %dma_wait3A_155 = arith.constant 0 : i32
    %dma_wait3A_156 = arith.constant 0 : i32
    %dma_wait3A_157 = tpu.memref_slice %arg4[%dma_wait3A_147, %dma_wait3A_155, %dma_wait3A_156] : memref<2x128x128xf32, #tpu.memory_space<vmem>> -> memref<1x128x128xf32, #tpu.memory_space<vmem>>
    %dma_wait3A_158 = tpu.memref_squeeze %dma_wait3A_157 : memref<1x128x128xf32, #tpu.memory_space<vmem>> -> memref<128x128xf32, #tpu.memory_space<vmem>>
    %dma_wait3A_159 = arith.constant 256 : i32
    %dma_wait3A_160 = tpu.memref_slice %arg2[%select_n3A, %dma_wait3A_159, %mul3A_32] : memref<4x1024x1024xf32, #tpu.memory_space<hbm>> -> memref<1x128x128xf32, #tpu.memory_space<hbm>>
    %dma_wait3A_161 = tpu.memref_squeeze %dma_wait3A_160 : memref<1x128x128xf32, #tpu.memory_space<hbm>> -> memref<128x128xf32, #tpu.memory_space<hbm>>
    tpu.wait_dma2 semaphore(%arg6 : memref<!tpu.dma_semaphore, #tpu.memory_space<semaphore_mem>>) src(%dma_wait3A_161 : memref<128x128xf32, #tpu.memory_space<hbm>>) dst(%dma_wait3A_158 : memref<128x128xf32, #tpu.memory_space<vmem>>)
    %scan3A_162 = arith.constant 0 : i32
    %scan3A_163 = arith.constant 128 : i32
    %scan3A_164 = arith.addi %scan3A_162, %scan3A_163 : i32
    %scan3A_165 = arith.constant 1 : i32
    %scan3A_166:8 = scf.for %scan3A_364 = %scan3A_162 to %scan3A_164 step %scan3A_165 iter_args(%scan3A_365 = %scan3A_130#0, %scan3A_366 = %scan3A_130#1, %scan3A_367 = %scan3A_130#2, %scan3A_368 = %scan3A_130#3, %scan3A_369 = %scan3A_130#4, %scan3A_370 = %scan3A_130#5, %scan3A_371 = %scan3A_130#6, %scan3A_372 = %scan3A_130#7) -> (vector<16xf32>, vector<16xf32>, vector<16xf32>, vector<16xf32>, vector<16xf32>, vector<16xf32>, vector<16xf32>, vector<16xf32>)  : i32 {
      %get3A = arith.constant 0 : i32
      %get3A_373 = arith.index_cast %get3A : i32 to index
      %get3A_374 = arith.index_cast %scan3A_364 : i32 to index
      %get3A_375 = arith.constant 0 : index
      %get3A_376 = tpu.vector_load %arg4[%get3A_373, %get3A_374, %get3A_375] {strides = array<i32>} : memref<2x128x128xf32, #tpu.memory_space<vmem>>, vector<1x1x16xf32>,
      %get3A_377 = vector.shape_cast %get3A_376 : vector<1x1x16xf32> to vector<16xf32>
      %max3A = arith.maximumf %scan3A_365, %get3A_377 : vector<16xf32>
      %get3A_378 = arith.constant 0 : i32
      %get3A_379 = arith.index_cast %get3A_378 : i32 to index
      %get3A_380 = arith.index_cast %scan3A_364 : i32 to index
      %get3A_381 = arith.constant 16 : index
      %get3A_382 = tpu.vector_load %arg4[%get3A_379, %get3A_380, %get3A_381] {strides = array<i32>} : memref<2x128x128xf32, #tpu.memory_space<vmem>>, vector<1x1x16xf32>,
      %get3A_383 = vector.shape_cast %get3A_382 : vector<1x1x16xf32> to vector<16xf32>
      %max3A_384 = arith.maximumf %scan3A_366, %get3A_383 : vector<16xf32>
      %get3A_385 = arith.constant 0 : i32
      %get3A_386 = arith.index_cast %get3A_385 : i32 to index
      %get3A_387 = arith.index_cast %scan3A_364 : i32 to index
      %get3A_388 = arith.constant 32 : index
      %get3A_389 = tpu.vector_load %arg4[%get3A_386, %get3A_387, %get3A_388] {strides = array<i32>} : memref<2x128x128xf32, #tpu.memory_space<vmem>>, vector<1x1x16xf32>,
      %get3A_390 = vector.shape_cast %get3A_389 : vector<1x1x16xf32> to vector<16xf32>
      %max3A_391 = arith.maximumf %scan3A_367, %get3A_390 : vector<16xf32>
      %get3A_392 = arith.constant 0 : i32
      %get3A_393 = arith.index_cast %get3A_392 : i32 to index
      %get3A_394 = arith.index_cast %scan3A_364 : i32 to index
      %get3A_395 = arith.constant 48 : index
      %get3A_396 = tpu.vector_load %arg4[%get3A_393, %get3A_394, %get3A_395] {strides = array<i32>} : memref<2x128x128xf32, #tpu.memory_space<vmem>>, vector<1x1x16xf32>,
      %get3A_397 = vector.shape_cast %get3A_396 : vector<1x1x16xf32> to vector<16xf32>
      %max3A_398 = arith.maximumf %scan3A_368, %get3A_397 : vector<16xf32>
      %get3A_399 = arith.constant 0 : i32
      %get3A_400 = arith.index_cast %get3A_399 : i32 to index
      %get3A_401 = arith.index_cast %scan3A_364 : i32 to index
      %get3A_402 = arith.constant 64 : index
      %get3A_403 = tpu.vector_load %arg4[%get3A_400, %get3A_401, %get3A_402] {strides = array<i32>} : memref<2x128x128xf32, #tpu.memory_space<vmem>>, vector<1x1x16xf32>,
      %get3A_404 = vector.shape_cast %get3A_403 : vector<1x1x16xf32> to vector<16xf32>
      %max3A_405 = arith.maximumf %scan3A_369, %get3A_404 : vector<16xf32>
      %get3A_406 = arith.constant 0 : i32
      %get3A_407 = arith.index_cast %get3A_406 : i32 to index
      %get3A_408 = arith.index_cast %scan3A_364 : i32 to index
      %get3A_409 = arith.constant 80 : index
      %get3A_410 = tpu.vector_load %arg4[%get3A_407, %get3A_408, %get3A_409] {strides = array<i32>} : memref<2x128x128xf32, #tpu.memory_space<vmem>>, vector<1x1x16xf32>,
      %get3A_411 = vector.shape_cast %get3A_410 : vector<1x1x16xf32> to vector<16xf32>
      %max3A_412 = arith.maximumf %scan3A_370, %get3A_411 : vector<16xf32>
      %get3A_413 = arith.constant 0 : i32
      %get3A_414 = arith.index_cast %get3A_413 : i32 to index
      %get3A_415 = arith.index_cast %scan3A_364 : i32 to index
      %get3A_416 = arith.constant 96 : index
      %get3A_417 = tpu.vector_load %arg4[%get3A_414, %get3A_415, %get3A_416] {strides = array<i32>} : memref<2x128x128xf32, #tpu.memory_space<vmem>>, vector<1x1x16xf32>,
      %get3A_418 = vector.shape_cast %get3A_417 : vector<1x1x16xf32> to vector<16xf32>
      %max3A_419 = arith.maximumf %scan3A_371, %get3A_418 : vector<16xf32>
      %get3A_420 = arith.constant 0 : i32
      %get3A_421 = arith.index_cast %get3A_420 : i32 to index
      %get3A_422 = arith.index_cast %scan3A_364 : i32 to index
      %get3A_423 = arith.constant 112 : index
      %get3A_424 = tpu.vector_load %arg4[%get3A_421, %get3A_422, %get3A_423] {strides = array<i32>} : memref<2x128x128xf32, #tpu.memory_space<vmem>>, vector<1x1x16xf32>,
      %get3A_425 = vector.shape_cast %get3A_424 : vector<1x1x16xf32> to vector<16xf32>
      %max3A_426 = arith.maximumf %scan3A_372, %get3A_425 : vector<16xf32>
      scf.yield %max3A, %max3A_384, %max3A_391, %max3A_398, %max3A_405, %max3A_412, %max3A_419, %max3A_426 : vector<16xf32>, vector<16xf32>, vector<16xf32>, vector<16xf32>, vector<16xf32>, vector<16xf32>, vector<16xf32>, vector<16xf32>
    }
    %scan3A_167 = arith.constant 128 : i32
    %dma_start3A_168 = arith.constant 0 : i32
    %dma_start3A_169 = arith.constant 0 : i32
    %dma_start3A_170 = arith.constant 0 : i32
    %dma_start3A_171 = tpu.memref_slice %arg4[%dma_start3A_168, %dma_start3A_169, %dma_start3A_170] : memref<2x128x128xf32, #tpu.memory_space<vmem>> -> memref<1x128x128xf32, #tpu.memory_space<vmem>>
    %dma_start3A_172 = tpu.memref_squeeze %dma_start3A_171 : memref<1x128x128xf32, #tpu.memory_space<vmem>> -> memref<128x128xf32, #tpu.memory_space<vmem>>
    %dma_start3A_173 = arith.constant 512 : i32
    %dma_start3A_174 = tpu.memref_slice %arg2[%select_n3A, %dma_start3A_173, %mul3A_32] : memref<4x1024x1024xf32, #tpu.memory_space<hbm>> -> memref<1x128x128xf32, #tpu.memory_space<hbm>>
    %dma_start3A_175 = tpu.memref_squeeze %dma_start3A_174 : memref<1x128x128xf32, #tpu.memory_space<hbm>> -> memref<128x128xf32, #tpu.memory_space<hbm>>
    %dma_start3A_176 = arith.constant 0 : i32
    %dma_start3A_177 = arith.constant 0 : i32
    %dma_start3A_178 = tpu.memref_slice %arg4[%dma_start3A_168, %dma_start3A_176, %dma_start3A_177] : memref<2x128x128xf32, #tpu.memory_space<vmem>> -> memref<1x128x128xf32, #tpu.memory_space<vmem>>
    %dma_start3A_179 = tpu.memref_squeeze %dma_start3A_178 : memref<1x128x128xf32, #tpu.memory_space<vmem>> -> memref<128x128xf32, #tpu.memory_space<vmem>>
    %dma_start3A_180 = arith.constant 512 : i32
    %dma_start3A_181 = tpu.memref_slice %arg2[%select_n3A, %dma_start3A_180, %mul3A_32] : memref<4x1024x1024xf32, #tpu.memory_space<hbm>> -> memref<1x128x128xf32, #tpu.memory_space<hbm>>
    %dma_start3A_182 = tpu.memref_squeeze %dma_start3A_181 : memref<1x128x128xf32, #tpu.memory_space<hbm>> -> memref<128x128xf32, #tpu.memory_space<hbm>>
    tpu.enqueue_dma source(%dma_start3A_182 : memref<128x128xf32, #tpu.memory_space<hbm>>) target(%dma_start3A_179 : memref<128x128xf32, #tpu.memory_space<vmem>>) target_semaphore(%arg6 : memref<!tpu.dma_semaphore, #tpu.memory_space<semaphore_mem>>)
    %dma_wait3A_183 = arith.constant 1 : i32
    %dma_wait3A_184 = arith.constant 0 : i32
    %dma_wait3A_185 = arith.constant 0 : i32
    %dma_wait3A_186 = tpu.memref_slice %arg4[%dma_wait3A_183, %dma_wait3A_184, %dma_wait3A_185] : memref<2x128x128xf32, #tpu.memory_space<vmem>> -> memref<1x128x128xf32, #tpu.memory_space<vmem>>
    %dma_wait3A_187 = tpu.memref_squeeze %dma_wait3A_186 : memref<1x128x128xf32, #tpu.memory_space<vmem>> -> memref<128x128xf32, #tpu.memory_space<vmem>>
    %dma_wait3A_188 = arith.constant 384 : i32
    %dma_wait3A_189 = tpu.memref_slice %arg2[%select_n3A, %dma_wait3A_188, %mul3A_32] : memref<4x1024x1024xf32, #tpu.memory_space<hbm>> -> memref<1x128x128xf32, #tpu.memory_space<hbm>>
    %dma_wait3A_190 = tpu.memref_squeeze %dma_wait3A_189 : memref<1x128x128xf32, #tpu.memory_space<hbm>> -> memref<128x128xf32, #tpu.memory_space<hbm>>
    %dma_wait3A_191 = arith.constant 0 : i32
    %dma_wait3A_192 = arith.constant 0 : i32
    %dma_wait3A_193 = tpu.memref_slice %arg4[%dma_wait3A_183, %dma_wait3A_191, %dma_wait3A_192] : memref<2x128x128xf32, #tpu.memory_space<vmem>> -> memref<1x128x128xf32, #tpu.memory_space<vmem>>
    %dma_wait3A_194 = tpu.memref_squeeze %dma_wait3A_193 : memref<1x128x128xf32, #tpu.memory_space<vmem>> -> memref<128x128xf32, #tpu.memory_space<vmem>>
    %dma_wait3A_195 = arith.constant 384 : i32
    %dma_wait3A_196 = tpu.memref_slice %arg2[%select_n3A, %dma_wait3A_195, %mul3A_32] : memref<4x1024x1024xf32, #tpu.memory_space<hbm>> -> memref<1x128x128xf32, #tpu.memory_space<hbm>>
    %dma_wait3A_197 = tpu.memref_squeeze %dma_wait3A_196 : memref<1x128x128xf32, #tpu.memory_space<hbm>> -> memref<128x128xf32, #tpu.memory_space<hbm>>
    tpu.wait_dma2 semaphore(%arg7 : memref<!tpu.dma_semaphore, #tpu.memory_space<semaphore_mem>>) src(%dma_wait3A_197 : memref<128x128xf32, #tpu.memory_space<hbm>>) dst(%dma_wait3A_194 : memref<128x128xf32, #tpu.memory_space<vmem>>)
    %scan3A_198 = arith.constant 0 : i32
    %scan3A_199 = arith.constant 128 : i32
    %scan3A_200 = arith.addi %scan3A_198, %scan3A_199 : i32
    %scan3A_201 = arith.constant 1 : i32
    %scan3A_202:8 = scf.for %scan3A_364 = %scan3A_198 to %scan3A_200 step %scan3A_201 iter_args(%scan3A_365 = %scan3A_166#0, %scan3A_366 = %scan3A_166#1, %scan3A_367 = %scan3A_166#2, %scan3A_368 = %scan3A_166#3, %scan3A_369 = %scan3A_166#4, %scan3A_370 = %scan3A_166#5, %scan3A_371 = %scan3A_166#6, %scan3A_372 = %scan3A_166#7) -> (vector<16xf32>, vector<16xf32>, vector<16xf32>, vector<16xf32>, vector<16xf32>, vector<16xf32>, vector<16xf32>, vector<16xf32>)  : i32 {
      %get3A = arith.constant 1 : i32
      %get3A_373 = arith.index_cast %get3A : i32 to index
      %get3A_374 = arith.index_cast %scan3A_364 : i32 to index
      %get3A_375 = arith.constant 0 : index
      %get3A_376 = tpu.vector_load %arg4[%get3A_373, %get3A_374, %get3A_375] {strides = array<i32>} : memref<2x128x128xf32, #tpu.memory_space<vmem>>, vector<1x1x16xf32>,
      %get3A_377 = vector.shape_cast %get3A_376 : vector<1x1x16xf32> to vector<16xf32>
      %max3A = arith.maximumf %scan3A_365, %get3A_377 : vector<16xf32>
      %get3A_378 = arith.constant 1 : i32
      %get3A_379 = arith.index_cast %get3A_378 : i32 to index
      %get3A_380 = arith.index_cast %scan3A_364 : i32 to index
      %get3A_381 = arith.constant 16 : index
      %get3A_382 = tpu.vector_load %arg4[%get3A_379, %get3A_380, %get3A_381] {strides = array<i32>} : memref<2x128x128xf32, #tpu.memory_space<vmem>>, vector<1x1x16xf32>,
      %get3A_383 = vector.shape_cast %get3A_382 : vector<1x1x16xf32> to vector<16xf32>
      %max3A_384 = arith.maximumf %scan3A_366, %get3A_383 : vector<16xf32>
      %get3A_385 = arith.constant 1 : i32
      %get3A_386 = arith.index_cast %get3A_385 : i32 to index
      %get3A_387 = arith.index_cast %scan3A_364 : i32 to index
      %get3A_388 = arith.constant 32 : index
      %get3A_389 = tpu.vector_load %arg4[%get3A_386, %get3A_387, %get3A_388] {strides = array<i32>} : memref<2x128x128xf32, #tpu.memory_space<vmem>>, vector<1x1x16xf32>,
      %get3A_390 = vector.shape_cast %get3A_389 : vector<1x1x16xf32> to vector<16xf32>
      %max3A_391 = arith.maximumf %scan3A_367, %get3A_390 : vector<16xf32>
      %get3A_392 = arith.constant 1 : i32
      %get3A_393 = arith.index_cast %get3A_392 : i32 to index
      %get3A_394 = arith.index_cast %scan3A_364 : i32 to index
      %get3A_395 = arith.constant 48 : index
      %get3A_396 = tpu.vector_load %arg4[%get3A_393, %get3A_394, %get3A_395] {strides = array<i32>} : memref<2x128x128xf32, #tpu.memory_space<vmem>>, vector<1x1x16xf32>,
      %get3A_397 = vector.shape_cast %get3A_396 : vector<1x1x16xf32> to vector<16xf32>
      %max3A_398 = arith.maximumf %scan3A_368, %get3A_397 : vector<16xf32>
      %get3A_399 = arith.constant 1 : i32
      %get3A_400 = arith.index_cast %get3A_399 : i32 to index
      %get3A_401 = arith.index_cast %scan3A_364 : i32 to index
      %get3A_402 = arith.constant 64 : index
      %get3A_403 = tpu.vector_load %arg4[%get3A_400, %get3A_401, %get3A_402] {strides = array<i32>} : memref<2x128x128xf32, #tpu.memory_space<vmem>>, vector<1x1x16xf32>,
      %get3A_404 = vector.shape_cast %get3A_403 : vector<1x1x16xf32> to vector<16xf32>
      %max3A_405 = arith.maximumf %scan3A_369, %get3A_404 : vector<16xf32>
      %get3A_406 = arith.constant 1 : i32
      %get3A_407 = arith.index_cast %get3A_406 : i32 to index
      %get3A_408 = arith.index_cast %scan3A_364 : i32 to index
      %get3A_409 = arith.constant 80 : index
      %get3A_410 = tpu.vector_load %arg4[%get3A_407, %get3A_408, %get3A_409] {strides = array<i32>} : memref<2x128x128xf32, #tpu.memory_space<vmem>>, vector<1x1x16xf32>,
      %get3A_411 = vector.shape_cast %get3A_410 : vector<1x1x16xf32> to vector<16xf32>
      %max3A_412 = arith.maximumf %scan3A_370, %get3A_411 : vector<16xf32>
      %get3A_413 = arith.constant 1 : i32
      %get3A_414 = arith.index_cast %get3A_413 : i32 to index
      %get3A_415 = arith.index_cast %scan3A_364 : i32 to index
      %get3A_416 = arith.constant 96 : index
      %get3A_417 = tpu.vector_load %arg4[%get3A_414, %get3A_415, %get3A_416] {strides = array<i32>} : memref<2x128x128xf32, #tpu.memory_space<vmem>>, vector<1x1x16xf32>,
      %get3A_418 = vector.shape_cast %get3A_417 : vector<1x1x16xf32> to vector<16xf32>
      %max3A_419 = arith.maximumf %scan3A_371, %get3A_418 : vector<16xf32>
      %get3A_420 = arith.constant 1 : i32
      %get3A_421 = arith.index_cast %get3A_420 : i32 to index
      %get3A_422 = arith.index_cast %scan3A_364 : i32 to index
      %get3A_423 = arith.constant 112 : index
      %get3A_424 = tpu.vector_load %arg4[%get3A_421, %get3A_422, %get3A_423] {strides = array<i32>} : memref<2x128x128xf32, #tpu.memory_space<vmem>>, vector<1x1x16xf32>,
      %get3A_425 = vector.shape_cast %get3A_424 : vector<1x1x16xf32> to vector<16xf32>
      %max3A_426 = arith.maximumf %scan3A_372, %get3A_425 : vector<16xf32>
      scf.yield %max3A, %max3A_384, %max3A_391, %max3A_398, %max3A_405, %max3A_412, %max3A_419, %max3A_426 : vector<16xf32>, vector<16xf32>, vector<16xf32>, vector<16xf32>, vector<16xf32>, vector<16xf32>, vector<16xf32>, vector<16xf32>
    }
    %scan3A_203 = arith.constant 128 : i32
    %dma_start3A_204 = arith.constant 1 : i32
    %dma_start3A_205 = arith.constant 0 : i32
    %dma_start3A_206 = arith.constant 0 : i32
    %dma_start3A_207 = tpu.memref_slice %arg4[%dma_start3A_204, %dma_start3A_205, %dma_start3A_206] : memref<2x128x128xf32, #tpu.memory_space<vmem>> -> memref<1x128x128xf32, #tpu.memory_space<vmem>>
    %dma_start3A_208 = tpu.memref_squeeze %dma_start3A_207 : memref<1x128x128xf32, #tpu.memory_space<vmem>> -> memref<128x128xf32, #tpu.memory_space<vmem>>
    %dma_start3A_209 = arith.constant 640 : i32
    %dma_start3A_210 = tpu.memref_slice %arg2[%select_n3A, %dma_start3A_209, %mul3A_32] : memref<4x1024x1024xf32, #tpu.memory_space<hbm>> -> memref<1x128x128xf32, #tpu.memory_space<hbm>>
    %dma_start3A_211 = tpu.memref_squeeze %dma_start3A_210 : memref<1x128x128xf32, #tpu.memory_space<hbm>> -> memref<128x128xf32, #tpu.memory_space<hbm>>
    %dma_start3A_212 = arith.constant 0 : i32
    %dma_start3A_213 = arith.constant 0 : i32
    %dma_start3A_214 = tpu.memref_slice %arg4[%dma_start3A_204, %dma_start3A_212, %dma_start3A_213] : memref<2x128x128xf32, #tpu.memory_space<vmem>> -> memref<1x128x128xf32, #tpu.memory_space<vmem>>
    %dma_start3A_215 = tpu.memref_squeeze %dma_start3A_214 : memref<1x128x128xf32, #tpu.memory_space<vmem>> -> memref<128x128xf32, #tpu.memory_space<vmem>>
    %dma_start3A_216 = arith.constant 640 : i32
    %dma_start3A_217 = tpu.memref_slice %arg2[%select_n3A, %dma_start3A_216, %mul3A_32] : memref<4x1024x1024xf32, #tpu.memory_space<hbm>> -> memref<1x128x128xf32, #tpu.memory_space<hbm>>
    %dma_start3A_218 = tpu.memref_squeeze %dma_start3A_217 : memref<1x128x128xf32, #tpu.memory_space<hbm>> -> memref<128x128xf32, #tpu.memory_space<hbm>>
    tpu.enqueue_dma source(%dma_start3A_218 : memref<128x128xf32, #tpu.memory_space<hbm>>) target(%dma_start3A_215 : memref<128x128xf32, #tpu.memory_space<vmem>>) target_semaphore(%arg7 : memref<!tpu.dma_semaphore, #tpu.memory_space<semaphore_mem>>)
    %dma_wait3A_219 = arith.constant 0 : i32
    %dma_wait3A_220 = arith.constant 0 : i32
    %dma_wait3A_221 = arith.constant 0 : i32
    %dma_wait3A_222 = tpu.memref_slice %arg4[%dma_wait3A_219, %dma_wait3A_220, %dma_wait3A_221] : memref<2x128x128xf32, #tpu.memory_space<vmem>> -> memref<1x128x128xf32, #tpu.memory_space<vmem>>
    %dma_wait3A_223 = tpu.memref_squeeze %dma_wait3A_222 : memref<1x128x128xf32, #tpu.memory_space<vmem>> -> memref<128x128xf32, #tpu.memory_space<vmem>>
    %dma_wait3A_224 = arith.constant 512 : i32
    %dma_wait3A_225 = tpu.memref_slice %arg2[%select_n3A, %dma_wait3A_224, %mul3A_32] : memref<4x1024x1024xf32, #tpu.memory_space<hbm>> -> memref<1x128x128xf32, #tpu.memory_space<hbm>>
    %dma_wait3A_226 = tpu.memref_squeeze %dma_wait3A_225 : memref<1x128x128xf32, #tpu.memory_space<hbm>> -> memref<128x128xf32, #tpu.memory_space<hbm>>
    %dma_wait3A_227 = arith.constant 0 : i32
    %dma_wait3A_228 = arith.constant 0 : i32
    %dma_wait3A_229 = tpu.memref_slice %arg4[%dma_wait3A_219, %dma_wait3A_227, %dma_wait3A_228] : memref<2x128x128xf32, #tpu.memory_space<vmem>> -> memref<1x128x128xf32, #tpu.memory_space<vmem>>
    %dma_wait3A_230 = tpu.memref_squeeze %dma_wait3A_229 : memref<1x128x128xf32, #tpu.memory_space<vmem>> -> memref<128x128xf32, #tpu.memory_space<vmem>>
    %dma_wait3A_231 = arith.constant 512 : i32
    %dma_wait3A_232 = tpu.memref_slice %arg2[%select_n3A, %dma_wait3A_231, %mul3A_32] : memref<4x1024x1024xf32, #tpu.memory_space<hbm>> -> memref<1x128x128xf32, #tpu.memory_space<hbm>>
    %dma_wait3A_233 = tpu.memref_squeeze %dma_wait3A_232 : memref<1x128x128xf32, #tpu.memory_space<hbm>> -> memref<128x128xf32, #tpu.memory_space<hbm>>
    tpu.wait_dma2 semaphore(%arg6 : memref<!tpu.dma_semaphore, #tpu.memory_space<semaphore_mem>>) src(%dma_wait3A_233 : memref<128x128xf32, #tpu.memory_space<hbm>>) dst(%dma_wait3A_230 : memref<128x128xf32, #tpu.memory_space<vmem>>)
    %scan3A_234 = arith.constant 0 : i32
    %scan3A_235 = arith.constant 128 : i32
    %scan3A_236 = arith.addi %scan3A_234, %scan3A_235 : i32
    %scan3A_237 = arith.constant 1 : i32
    %scan3A_238:8 = scf.for %scan3A_364 = %scan3A_234 to %scan3A_236 step %scan3A_237 iter_args(%scan3A_365 = %scan3A_202#0, %scan3A_366 = %scan3A_202#1, %scan3A_367 = %scan3A_202#2, %scan3A_368 = %scan3A_202#3, %scan3A_369 = %scan3A_202#4, %scan3A_370 = %scan3A_202#5, %scan3A_371 = %scan3A_202#6, %scan3A_372 = %scan3A_202#7) -> (vector<16xf32>, vector<16xf32>, vector<16xf32>, vector<16xf32>, vector<16xf32>, vector<16xf32>, vector<16xf32>, vector<16xf32>)  : i32 {
      %get3A = arith.constant 0 : i32
      %get3A_373 = arith.index_cast %get3A : i32 to index
      %get3A_374 = arith.index_cast %scan3A_364 : i32 to index
      %get3A_375 = arith.constant 0 : index
      %get3A_376 = tpu.vector_load %arg4[%get3A_373, %get3A_374, %get3A_375] {strides = array<i32>} : memref<2x128x128xf32, #tpu.memory_space<vmem>>, vector<1x1x16xf32>,
      %get3A_377 = vector.shape_cast %get3A_376 : vector<1x1x16xf32> to vector<16xf32>
      %max3A = arith.maximumf %scan3A_365, %get3A_377 : vector<16xf32>
      %get3A_378 = arith.constant 0 : i32
      %get3A_379 = arith.index_cast %get3A_378 : i32 to index
      %get3A_380 = arith.index_cast %scan3A_364 : i32 to index
      %get3A_381 = arith.constant 16 : index
      %get3A_382 = tpu.vector_load %arg4[%get3A_379, %get3A_380, %get3A_381] {strides = array<i32>} : memref<2x128x128xf32, #tpu.memory_space<vmem>>, vector<1x1x16xf32>,
      %get3A_383 = vector.shape_cast %get3A_382 : vector<1x1x16xf32> to vector<16xf32>
      %max3A_384 = arith.maximumf %scan3A_366, %get3A_383 : vector<16xf32>
      %get3A_385 = arith.constant 0 : i32
      %get3A_386 = arith.index_cast %get3A_385 : i32 to index
      %get3A_387 = arith.index_cast %scan3A_364 : i32 to index
      %get3A_388 = arith.constant 32 : index
      %get3A_389 = tpu.vector_load %arg4[%get3A_386, %get3A_387, %get3A_388] {strides = array<i32>} : memref<2x128x128xf32, #tpu.memory_space<vmem>>, vector<1x1x16xf32>,
      %get3A_390 = vector.shape_cast %get3A_389 : vector<1x1x16xf32> to vector<16xf32>
      %max3A_391 = arith.maximumf %scan3A_367, %get3A_390 : vector<16xf32>
      %get3A_392 = arith.constant 0 : i32
      %get3A_393 = arith.index_cast %get3A_392 : i32 to index
      %get3A_394 = arith.index_cast %scan3A_364 : i32 to index
      %get3A_395 = arith.constant 48 : index
      %get3A_396 = tpu.vector_load %arg4[%get3A_393, %get3A_394, %get3A_395] {strides = array<i32>} : memref<2x128x128xf32, #tpu.memory_space<vmem>>, vector<1x1x16xf32>,
      %get3A_397 = vector.shape_cast %get3A_396 : vector<1x1x16xf32> to vector<16xf32>
      %max3A_398 = arith.maximumf %scan3A_368, %get3A_397 : vector<16xf32>
      %get3A_399 = arith.constant 0 : i32
      %get3A_400 = arith.index_cast %get3A_399 : i32 to index
      %get3A_401 = arith.index_cast %scan3A_364 : i32 to index
      %get3A_402 = arith.constant 64 : index
      %get3A_403 = tpu.vector_load %arg4[%get3A_400, %get3A_401, %get3A_402] {strides = array<i32>} : memref<2x128x128xf32, #tpu.memory_space<vmem>>, vector<1x1x16xf32>,
      %get3A_404 = vector.shape_cast %get3A_403 : vector<1x1x16xf32> to vector<16xf32>
      %max3A_405 = arith.maximumf %scan3A_369, %get3A_404 : vector<16xf32>
      %get3A_406 = arith.constant 0 : i32
      %get3A_407 = arith.index_cast %get3A_406 : i32 to index
      %get3A_408 = arith.index_cast %scan3A_364 : i32 to index
      %get3A_409 = arith.constant 80 : index
      %get3A_410 = tpu.vector_load %arg4[%get3A_407, %get3A_408, %get3A_409] {strides = array<i32>} : memref<2x128x128xf32, #tpu.memory_space<vmem>>, vector<1x1x16xf32>,
      %get3A_411 = vector.shape_cast %get3A_410 : vector<1x1x16xf32> to vector<16xf32>
      %max3A_412 = arith.maximumf %scan3A_370, %get3A_411 : vector<16xf32>
      %get3A_413 = arith.constant 0 : i32
      %get3A_414 = arith.index_cast %get3A_413 : i32 to index
      %get3A_415 = arith.index_cast %scan3A_364 : i32 to index
      %get3A_416 = arith.constant 96 : index
      %get3A_417 = tpu.vector_load %arg4[%get3A_414, %get3A_415, %get3A_416] {strides = array<i32>} : memref<2x128x128xf32, #tpu.memory_space<vmem>>, vector<1x1x16xf32>,
      %get3A_418 = vector.shape_cast %get3A_417 : vector<1x1x16xf32> to vector<16xf32>
      %max3A_419 = arith.maximumf %scan3A_371, %get3A_418 : vector<16xf32>
      %get3A_420 = arith.constant 0 : i32
      %get3A_421 = arith.index_cast %get3A_420 : i32 to index
      %get3A_422 = arith.index_cast %scan3A_364 : i32 to index
      %get3A_423 = arith.constant 112 : index
      %get3A_424 = tpu.vector_load %arg4[%get3A_421, %get3A_422, %get3A_423] {strides = array<i32>} : memref<2x128x128xf32, #tpu.memory_space<vmem>>, vector<1x1x16xf32>,
      %get3A_425 = vector.shape_cast %get3A_424 : vector<1x1x16xf32> to vector<16xf32>
      %max3A_426 = arith.maximumf %scan3A_372, %get3A_425 : vector<16xf32>
      scf.yield %max3A, %max3A_384, %max3A_391, %max3A_398, %max3A_405, %max3A_412, %max3A_419, %max3A_426 : vector<16xf32>, vector<16xf32>, vector<16xf32>, vector<16xf32>, vector<16xf32>, vector<16xf32>, vector<16xf32>, vector<16xf32>
    }
    %scan3A_239 = arith.constant 128 : i32
    %dma_start3A_240 = arith.constant 0 : i32
    %dma_start3A_241 = arith.constant 0 : i32
    %dma_start3A_242 = arith.constant 0 : i32
    %dma_start3A_243 = tpu.memref_slice %arg4[%dma_start3A_240, %dma_start3A_241, %dma_start3A_242] : memref<2x128x128xf32, #tpu.memory_space<vmem>> -> memref<1x128x128xf32, #tpu.memory_space<vmem>>
    %dma_start3A_244 = tpu.memref_squeeze %dma_start3A_243 : memref<1x128x128xf32, #tpu.memory_space<vmem>> -> memref<128x128xf32, #tpu.memory_space<vmem>>
    %dma_start3A_245 = arith.constant 768 : i32
    %dma_start3A_246 = tpu.memref_slice %arg2[%select_n3A, %dma_start3A_245, %mul3A_32] : memref<4x1024x1024xf32, #tpu.memory_space<hbm>> -> memref<1x128x128xf32, #tpu.memory_space<hbm>>
    %dma_start3A_247 = tpu.memref_squeeze %dma_start3A_246 : memref<1x128x128xf32, #tpu.memory_space<hbm>> -> memref<128x128xf32, #tpu.memory_space<hbm>>
    %dma_start3A_248 = arith.constant 0 : i32
    %dma_start3A_249 = arith.constant 0 : i32
    %dma_start3A_250 = tpu.memref_slice %arg4[%dma_start3A_240, %dma_start3A_248, %dma_start3A_249] : memref<2x128x128xf32, #tpu.memory_space<vmem>> -> memref<1x128x128xf32, #tpu.memory_space<vmem>>
    %dma_start3A_251 = tpu.memref_squeeze %dma_start3A_250 : memref<1x128x128xf32, #tpu.memory_space<vmem>> -> memref<128x128xf32, #tpu.memory_space<vmem>>
    %dma_start3A_252 = arith.constant 768 : i32
    %dma_start3A_253 = tpu.memref_slice %arg2[%select_n3A, %dma_start3A_252, %mul3A_32] : memref<4x1024x1024xf32, #tpu.memory_space<hbm>> -> memref<1x128x128xf32, #tpu.memory_space<hbm>>
    %dma_start3A_254 = tpu.memref_squeeze %dma_start3A_253 : memref<1x128x128xf32, #tpu.memory_space<hbm>> -> memref<128x128xf32, #tpu.memory_space<hbm>>
    tpu.enqueue_dma source(%dma_start3A_254 : memref<128x128xf32, #tpu.memory_space<hbm>>) target(%dma_start3A_251 : memref<128x128xf32, #tpu.memory_space<vmem>>) target_semaphore(%arg6 : memref<!tpu.dma_semaphore, #tpu.memory_space<semaphore_mem>>)
    %dma_wait3A_255 = arith.constant 1 : i32
    %dma_wait3A_256 = arith.constant 0 : i32
    %dma_wait3A_257 = arith.constant 0 : i32
    %dma_wait3A_258 = tpu.memref_slice %arg4[%dma_wait3A_255, %dma_wait3A_256, %dma_wait3A_257] : memref<2x128x128xf32, #tpu.memory_space<vmem>> -> memref<1x128x128xf32, #tpu.memory_space<vmem>>
    %dma_wait3A_259 = tpu.memref_squeeze %dma_wait3A_258 : memref<1x128x128xf32, #tpu.memory_space<vmem>> -> memref<128x128xf32, #tpu.memory_space<vmem>>
    %dma_wait3A_260 = arith.constant 640 : i32
    %dma_wait3A_261 = tpu.memref_slice %arg2[%select_n3A, %dma_wait3A_260, %mul3A_32] : memref<4x1024x1024xf32, #tpu.memory_space<hbm>> -> memref<1x128x128xf32, #tpu.memory_space<hbm>>
    %dma_wait3A_262 = tpu.memref_squeeze %dma_wait3A_261 : memref<1x128x128xf32, #tpu.memory_space<hbm>> -> memref<128x128xf32, #tpu.memory_space<hbm>>
    %dma_wait3A_263 = arith.constant 0 : i32
    %dma_wait3A_264 = arith.constant 0 : i32
    %dma_wait3A_265 = tpu.memref_slice %arg4[%dma_wait3A_255, %dma_wait3A_263, %dma_wait3A_264] : memref<2x128x128xf32, #tpu.memory_space<vmem>> -> memref<1x128x128xf32, #tpu.memory_space<vmem>>
    %dma_wait3A_266 = tpu.memref_squeeze %dma_wait3A_265 : memref<1x128x128xf32, #tpu.memory_space<vmem>> -> memref<128x128xf32, #tpu.memory_space<vmem>>
    %dma_wait3A_267 = arith.constant 640 : i32
    %dma_wait3A_268 = tpu.memref_slice %arg2[%select_n3A, %dma_wait3A_267, %mul3A_32] : memref<4x1024x1024xf32, #tpu.memory_space<hbm>> -> memref<1x128x128xf32, #tpu.memory_space<hbm>>
    %dma_wait3A_269 = tpu.memref_squeeze %dma_wait3A_268 : memref<1x128x128xf32, #tpu.memory_space<hbm>> -> memref<128x128xf32, #tpu.memory_space<hbm>>
    tpu.wait_dma2 semaphore(%arg7 : memref<!tpu.dma_semaphore, #tpu.memory_space<semaphore_mem>>) src(%dma_wait3A_269 : memref<128x128xf32, #tpu.memory_space<hbm>>) dst(%dma_wait3A_266 : memref<128x128xf32, #tpu.memory_space<vmem>>)
    %scan3A_270 = arith.constant 0 : i32
    %scan3A_271 = arith.constant 128 : i32
    %scan3A_272 = arith.addi %scan3A_270, %scan3A_271 : i32
    %scan3A_273 = arith.constant 1 : i32
    %scan3A_274:8 = scf.for %scan3A_364 = %scan3A_270 to %scan3A_272 step %scan3A_273 iter_args(%scan3A_365 = %scan3A_238#0, %scan3A_366 = %scan3A_238#1, %scan3A_367 = %scan3A_238#2, %scan3A_368 = %scan3A_238#3, %scan3A_369 = %scan3A_238#4, %scan3A_370 = %scan3A_238#5, %scan3A_371 = %scan3A_238#6, %scan3A_372 = %scan3A_238#7) -> (vector<16xf32>, vector<16xf32>, vector<16xf32>, vector<16xf32>, vector<16xf32>, vector<16xf32>, vector<16xf32>, vector<16xf32>)  : i32 {
      %get3A = arith.constant 1 : i32
      %get3A_373 = arith.index_cast %get3A : i32 to index
      %get3A_374 = arith.index_cast %scan3A_364 : i32 to index
      %get3A_375 = arith.constant 0 : index
      %get3A_376 = tpu.vector_load %arg4[%get3A_373, %get3A_374, %get3A_375] {strides = array<i32>} : memref<2x128x128xf32, #tpu.memory_space<vmem>>, vector<1x1x16xf32>,
      %get3A_377 = vector.shape_cast %get3A_376 : vector<1x1x16xf32> to vector<16xf32>
      %max3A = arith.maximumf %scan3A_365, %get3A_377 : vector<16xf32>
      %get3A_378 = arith.constant 1 : i32
      %get3A_379 = arith.index_cast %get3A_378 : i32 to index
      %get3A_380 = arith.index_cast %scan3A_364 : i32 to index
      %get3A_381 = arith.constant 16 : index
      %get3A_382 = tpu.vector_load %arg4[%get3A_379, %get3A_380, %get3A_381] {strides = array<i32>} : memref<2x128x128xf32, #tpu.memory_space<vmem>>, vector<1x1x16xf32>,
      %get3A_383 = vector.shape_cast %get3A_382 : vector<1x1x16xf32> to vector<16xf32>
      %max3A_384 = arith.maximumf %scan3A_366, %get3A_383 : vector<16xf32>
      %get3A_385 = arith.constant 1 : i32
      %get3A_386 = arith.index_cast %get3A_385 : i32 to index
      %get3A_387 = arith.index_cast %scan3A_364 : i32 to index
      %get3A_388 = arith.constant 32 : index
      %get3A_389 = tpu.vector_load %arg4[%get3A_386, %get3A_387, %get3A_388] {strides = array<i32>} : memref<2x128x128xf32, #tpu.memory_space<vmem>>, vector<1x1x16xf32>,
      %get3A_390 = vector.shape_cast %get3A_389 : vector<1x1x16xf32> to vector<16xf32>
      %max3A_391 = arith.maximumf %scan3A_367, %get3A_390 : vector<16xf32>
      %get3A_392 = arith.constant 1 : i32
      %get3A_393 = arith.index_cast %get3A_392 : i32 to index
      %get3A_394 = arith.index_cast %scan3A_364 : i32 to index
      %get3A_395 = arith.constant 48 : index
      %get3A_396 = tpu.vector_load %arg4[%get3A_393, %get3A_394, %get3A_395] {strides = array<i32>} : memref<2x128x128xf32, #tpu.memory_space<vmem>>, vector<1x1x16xf32>,
      %get3A_397 = vector.shape_cast %get3A_396 : vector<1x1x16xf32> to vector<16xf32>
      %max3A_398 = arith.maximumf %scan3A_368, %get3A_397 : vector<16xf32>
      %get3A_399 = arith.constant 1 : i32
      %get3A_400 = arith.index_cast %get3A_399 : i32 to index
      %get3A_401 = arith.index_cast %scan3A_364 : i32 to index
      %get3A_402 = arith.constant 64 : index
      %get3A_403 = tpu.vector_load %arg4[%get3A_400, %get3A_401, %get3A_402] {strides = array<i32>} : memref<2x128x128xf32, #tpu.memory_space<vmem>>, vector<1x1x16xf32>,
      %get3A_404 = vector.shape_cast %get3A_403 : vector<1x1x16xf32> to vector<16xf32>
      %max3A_405 = arith.maximumf %scan3A_369, %get3A_404 : vector<16xf32>
      %get3A_406 = arith.constant 1 : i32
      %get3A_407 = arith.index_cast %get3A_406 : i32 to index
      %get3A_408 = arith.index_cast %scan3A_364 : i32 to index
      %get3A_409 = arith.constant 80 : index
      %get3A_410 = tpu.vector_load %arg4[%get3A_407, %get3A_408, %get3A_409] {strides = array<i32>} : memref<2x128x128xf32, #tpu.memory_space<vmem>>, vector<1x1x16xf32>,
      %get3A_411 = vector.shape_cast %get3A_410 : vector<1x1x16xf32> to vector<16xf32>
      %max3A_412 = arith.maximumf %scan3A_370, %get3A_411 : vector<16xf32>
      %get3A_413 = arith.constant 1 : i32
      %get3A_414 = arith.index_cast %get3A_413 : i32 to index
      %get3A_415 = arith.index_cast %scan3A_364 : i32 to index
      %get3A_416 = arith.constant 96 : index
      %get3A_417 = tpu.vector_load %arg4[%get3A_414, %get3A_415, %get3A_416] {strides = array<i32>} : memref<2x128x128xf32, #tpu.memory_space<vmem>>, vector<1x1x16xf32>,
      %get3A_418 = vector.shape_cast %get3A_417 : vector<1x1x16xf32> to vector<16xf32>
      %max3A_419 = arith.maximumf %scan3A_371, %get3A_418 : vector<16xf32>
      %get3A_420 = arith.constant 1 : i32
      %get3A_421 = arith.index_cast %get3A_420 : i32 to index
      %get3A_422 = arith.index_cast %scan3A_364 : i32 to index
      %get3A_423 = arith.constant 112 : index
      %get3A_424 = tpu.vector_load %arg4[%get3A_421, %get3A_422, %get3A_423] {strides = array<i32>} : memref<2x128x128xf32, #tpu.memory_space<vmem>>, vector<1x1x16xf32>,
      %get3A_425 = vector.shape_cast %get3A_424 : vector<1x1x16xf32> to vector<16xf32>
      %max3A_426 = arith.maximumf %scan3A_372, %get3A_425 : vector<16xf32>
      scf.yield %max3A, %max3A_384, %max3A_391, %max3A_398, %max3A_405, %max3A_412, %max3A_419, %max3A_426 : vector<16xf32>, vector<16xf32>, vector<16xf32>, vector<16xf32>, vector<16xf32>, vector<16xf32>, vector<16xf32>, vector<16xf32>
    }
    %scan3A_275 = arith.constant 128 : i32
    %dma_start3A_276 = arith.constant 1 : i32
    %dma_start3A_277 = arith.constant 0 : i32
    %dma_start3A_278 = arith.constant 0 : i32
    %dma_start3A_279 = tpu.memref_slice %arg4[%dma_start3A_276, %dma_start3A_277, %dma_start3A_278] : memref<2x128x128xf32, #tpu.memory_space<vmem>> -> memref<1x128x128xf32, #tpu.memory_space<vmem>>
    %dma_start3A_280 = tpu.memref_squeeze %dma_start3A_279 : memref<1x128x128xf32, #tpu.memory_space<vmem>> -> memref<128x128xf32, #tpu.memory_space<vmem>>
    %dma_start3A_281 = arith.constant 896 : i32
    %dma_start3A_282 = tpu.memref_slice %arg2[%select_n3A, %dma_start3A_281, %mul3A_32] : memref<4x1024x1024xf32, #tpu.memory_space<hbm>> -> memref<1x128x128xf32, #tpu.memory_space<hbm>>
    %dma_start3A_283 = tpu.memref_squeeze %dma_start3A_282 : memref<1x128x128xf32, #tpu.memory_space<hbm>> -> memref<128x128xf32, #tpu.memory_space<hbm>>
    %dma_start3A_284 = arith.constant 0 : i32
    %dma_start3A_285 = arith.constant 0 : i32
    %dma_start3A_286 = tpu.memref_slice %arg4[%dma_start3A_276, %dma_start3A_284, %dma_start3A_285] : memref<2x128x128xf32, #tpu.memory_space<vmem>> -> memref<1x128x128xf32, #tpu.memory_space<vmem>>
    %dma_start3A_287 = tpu.memref_squeeze %dma_start3A_286 : memref<1x128x128xf32, #tpu.memory_space<vmem>> -> memref<128x128xf32, #tpu.memory_space<vmem>>
    %dma_start3A_288 = arith.constant 896 : i32
    %dma_start3A_289 = tpu.memref_slice %arg2[%select_n3A, %dma_start3A_288, %mul3A_32] : memref<4x1024x1024xf32, #tpu.memory_space<hbm>> -> memref<1x128x128xf32, #tpu.memory_space<hbm>>
    %dma_start3A_290 = tpu.memref_squeeze %dma_start3A_289 : memref<1x128x128xf32, #tpu.memory_space<hbm>> -> memref<128x128xf32, #tpu.memory_space<hbm>>
    tpu.enqueue_dma source(%dma_start3A_290 : memref<128x128xf32, #tpu.memory_space<hbm>>) target(%dma_start3A_287 : memref<128x128xf32, #tpu.memory_space<vmem>>) target_semaphore(%arg7 : memref<!tpu.dma_semaphore, #tpu.memory_space<semaphore_mem>>)
    %dma_wait3A_291 = arith.constant 0 : i32
    %dma_wait3A_292 = arith.constant 0 : i32
    %dma_wait3A_293 = arith.constant 0 : i32
    %dma_wait3A_294 = tpu.memref_slice %arg4[%dma_wait3A_291, %dma_wait3A_292, %dma_wait3A_293] : memref<2x128x128xf32, #tpu.memory_space<vmem>> -> memref<1x128x128xf32, #tpu.memory_space<vmem>>
    %dma_wait3A_295 = tpu.memref_squeeze %dma_wait3A_294 : memref<1x128x128xf32, #tpu.memory_space<vmem>> -> memref<128x128xf32, #tpu.memory_space<vmem>>
    %dma_wait3A_296 = arith.constant 768 : i32
    %dma_wait3A_297 = tpu.memref_slice %arg2[%select_n3A, %dma_wait3A_296, %mul3A_32] : memref<4x1024x1024xf32, #tpu.memory_space<hbm>> -> memref<1x128x128xf32, #tpu.memory_space<hbm>>
    %dma_wait3A_298 = tpu.memref_squeeze %dma_wait3A_297 : memref<1x128x128xf32, #tpu.memory_space<hbm>> -> memref<128x128xf32, #tpu.memory_space<hbm>>
    %dma_wait3A_299 = arith.constant 0 : i32
    %dma_wait3A_300 = arith.constant 0 : i32
    %dma_wait3A_301 = tpu.memref_slice %arg4[%dma_wait3A_291, %dma_wait3A_299, %dma_wait3A_300] : memref<2x128x128xf32, #tpu.memory_space<vmem>> -> memref<1x128x128xf32, #tpu.memory_space<vmem>>
    %dma_wait3A_302 = tpu.memref_squeeze %dma_wait3A_301 : memref<1x128x128xf32, #tpu.memory_space<vmem>> -> memref<128x128xf32, #tpu.memory_space<vmem>>
    %dma_wait3A_303 = arith.constant 768 : i32
    %dma_wait3A_304 = tpu.memref_slice %arg2[%select_n3A, %dma_wait3A_303, %mul3A_32] : memref<4x1024x1024xf32, #tpu.memory_space<hbm>> -> memref<1x128x128xf32, #tpu.memory_space<hbm>>
    %dma_wait3A_305 = tpu.memref_squeeze %dma_wait3A_304 : memref<1x128x128xf32, #tpu.memory_space<hbm>> -> memref<128x128xf32, #tpu.memory_space<hbm>>
    tpu.wait_dma2 semaphore(%arg6 : memref<!tpu.dma_semaphore, #tpu.memory_space<semaphore_mem>>) src(%dma_wait3A_305 : memref<128x128xf32, #tpu.memory_space<hbm>>) dst(%dma_wait3A_302 : memref<128x128xf32, #tpu.memory_space<vmem>>)
    %scan3A_306 = arith.constant 0 : i32
    %scan3A_307 = arith.constant 128 : i32
    %scan3A_308 = arith.addi %scan3A_306, %scan3A_307 : i32
    %scan3A_309 = arith.constant 1 : i32
    %scan3A_310:8 = scf.for %scan3A_364 = %scan3A_306 to %scan3A_308 step %scan3A_309 iter_args(%scan3A_365 = %scan3A_274#0, %scan3A_366 = %scan3A_274#1, %scan3A_367 = %scan3A_274#2, %scan3A_368 = %scan3A_274#3, %scan3A_369 = %scan3A_274#4, %scan3A_370 = %scan3A_274#5, %scan3A_371 = %scan3A_274#6, %scan3A_372 = %scan3A_274#7) -> (vector<16xf32>, vector<16xf32>, vector<16xf32>, vector<16xf32>, vector<16xf32>, vector<16xf32>, vector<16xf32>, vector<16xf32>)  : i32 {
      %get3A = arith.constant 0 : i32
      %get3A_373 = arith.index_cast %get3A : i32 to index
      %get3A_374 = arith.index_cast %scan3A_364 : i32 to index
      %get3A_375 = arith.constant 0 : index
      %get3A_376 = tpu.vector_load %arg4[%get3A_373, %get3A_374, %get3A_375] {strides = array<i32>} : memref<2x128x128xf32, #tpu.memory_space<vmem>>, vector<1x1x16xf32>,
      %get3A_377 = vector.shape_cast %get3A_376 : vector<1x1x16xf32> to vector<16xf32>
      %max3A = arith.maximumf %scan3A_365, %get3A_377 : vector<16xf32>
      %get3A_378 = arith.constant 0 : i32
      %get3A_379 = arith.index_cast %get3A_378 : i32 to index
      %get3A_380 = arith.index_cast %scan3A_364 : i32 to index
      %get3A_381 = arith.constant 16 : index
      %get3A_382 = tpu.vector_load %arg4[%get3A_379, %get3A_380, %get3A_381] {strides = array<i32>} : memref<2x128x128xf32, #tpu.memory_space<vmem>>, vector<1x1x16xf32>,
      %get3A_383 = vector.shape_cast %get3A_382 : vector<1x1x16xf32> to vector<16xf32>
      %max3A_384 = arith.maximumf %scan3A_366, %get3A_383 : vector<16xf32>
      %get3A_385 = arith.constant 0 : i32
      %get3A_386 = arith.index_cast %get3A_385 : i32 to index
      %get3A_387 = arith.index_cast %scan3A_364 : i32 to index
      %get3A_388 = arith.constant 32 : index
      %get3A_389 = tpu.vector_load %arg4[%get3A_386, %get3A_387, %get3A_388] {strides = array<i32>} : memref<2x128x128xf32, #tpu.memory_space<vmem>>, vector<1x1x16xf32>,
      %get3A_390 = vector.shape_cast %get3A_389 : vector<1x1x16xf32> to vector<16xf32>
      %max3A_391 = arith.maximumf %scan3A_367, %get3A_390 : vector<16xf32>
      %get3A_392 = arith.constant 0 : i32
      %get3A_393 = arith.index_cast %get3A_392 : i32 to index
      %get3A_394 = arith.index_cast %scan3A_364 : i32 to index
      %get3A_395 = arith.constant 48 : index
      %get3A_396 = tpu.vector_load %arg4[%get3A_393, %get3A_394, %get3A_395] {strides = array<i32>} : memref<2x128x128xf32, #tpu.memory_space<vmem>>, vector<1x1x16xf32>,
      %get3A_397 = vector.shape_cast %get3A_396 : vector<1x1x16xf32> to vector<16xf32>
      %max3A_398 = arith.maximumf %scan3A_368, %get3A_397 : vector<16xf32>
      %get3A_399 = arith.constant 0 : i32
      %get3A_400 = arith.index_cast %get3A_399 : i32 to index
      %get3A_401 = arith.index_cast %scan3A_364 : i32 to index
      %get3A_402 = arith.constant 64 : index
      %get3A_403 = tpu.vector_load %arg4[%get3A_400, %get3A_401, %get3A_402] {strides = array<i32>} : memref<2x128x128xf32, #tpu.memory_space<vmem>>, vector<1x1x16xf32>,
      %get3A_404 = vector.shape_cast %get3A_403 : vector<1x1x16xf32> to vector<16xf32>
      %max3A_405 = arith.maximumf %scan3A_369, %get3A_404 : vector<16xf32>
      %get3A_406 = arith.constant 0 : i32
      %get3A_407 = arith.index_cast %get3A_406 : i32 to index
      %get3A_408 = arith.index_cast %scan3A_364 : i32 to index
      %get3A_409 = arith.constant 80 : index
      %get3A_410 = tpu.vector_load %arg4[%get3A_407, %get3A_408, %get3A_409] {strides = array<i32>} : memref<2x128x128xf32, #tpu.memory_space<vmem>>, vector<1x1x16xf32>,
      %get3A_411 = vector.shape_cast %get3A_410 : vector<1x1x16xf32> to vector<16xf32>
      %max3A_412 = arith.maximumf %scan3A_370, %get3A_411 : vector<16xf32>
      %get3A_413 = arith.constant 0 : i32
      %get3A_414 = arith.index_cast %get3A_413 : i32 to index
      %get3A_415 = arith.index_cast %scan3A_364 : i32 to index
      %get3A_416 = arith.constant 96 : index
      %get3A_417 = tpu.vector_load %arg4[%get3A_414, %get3A_415, %get3A_416] {strides = array<i32>} : memref<2x128x128xf32, #tpu.memory_space<vmem>>, vector<1x1x16xf32>,
      %get3A_418 = vector.shape_cast %get3A_417 : vector<1x1x16xf32> to vector<16xf32>
      %max3A_419 = arith.maximumf %scan3A_371, %get3A_418 : vector<16xf32>
      %get3A_420 = arith.constant 0 : i32
      %get3A_421 = arith.index_cast %get3A_420 : i32 to index
      %get3A_422 = arith.index_cast %scan3A_364 : i32 to index
      %get3A_423 = arith.constant 112 : index
      %get3A_424 = tpu.vector_load %arg4[%get3A_421, %get3A_422, %get3A_423] {strides = array<i32>} : memref<2x128x128xf32, #tpu.memory_space<vmem>>, vector<1x1x16xf32>,
      %get3A_425 = vector.shape_cast %get3A_424 : vector<1x1x16xf32> to vector<16xf32>
      %max3A_426 = arith.maximumf %scan3A_372, %get3A_425 : vector<16xf32>
      scf.yield %max3A, %max3A_384, %max3A_391, %max3A_398, %max3A_405, %max3A_412, %max3A_419, %max3A_426 : vector<16xf32>, vector<16xf32>, vector<16xf32>, vector<16xf32>, vector<16xf32>, vector<16xf32>, vector<16xf32>, vector<16xf32>
    }
    %scan3A_311 = arith.constant 128 : i32
    %dma_wait3A_312 = arith.constant 1 : i32
    %dma_wait3A_313 = arith.constant 0 : i32
    %dma_wait3A_314 = arith.constant 0 : i32
    %dma_wait3A_315 = tpu.memref_slice %arg4[%dma_wait3A_312, %dma_wait3A_313, %dma_wait3A_314] : memref<2x128x128xf32, #tpu.memory_space<vmem>> -> memref<1x128x128xf32, #tpu.memory_space<vmem>>
    %dma_wait3A_316 = tpu.memref_squeeze %dma_wait3A_315 : memref<1x128x128xf32, #tpu.memory_space<vmem>> -> memref<128x128xf32, #tpu.memory_space<vmem>>
    %dma_wait3A_317 = arith.constant 896 : i32
    %dma_wait3A_318 = tpu.memref_slice %arg2[%select_n3A, %dma_wait3A_317, %mul3A_32] : memref<4x1024x1024xf32, #tpu.memory_space<hbm>> -> memref<1x128x128xf32, #tpu.memory_space<hbm>>
    %dma_wait3A_319 = tpu.memref_squeeze %dma_wait3A_318 : memref<1x128x128xf32, #tpu.memory_space<hbm>> -> memref<128x128xf32, #tpu.memory_space<hbm>>
    %dma_wait3A_320 = arith.constant 0 : i32
    %dma_wait3A_321 = arith.constant 0 : i32
    %dma_wait3A_322 = tpu.memref_slice %arg4[%dma_wait3A_312, %dma_wait3A_320, %dma_wait3A_321] : memref<2x128x128xf32, #tpu.memory_space<vmem>> -> memref<1x128x128xf32, #tpu.memory_space<vmem>>
    %dma_wait3A_323 = tpu.memref_squeeze %dma_wait3A_322 : memref<1x128x128xf32, #tpu.memory_space<vmem>> -> memref<128x128xf32, #tpu.memory_space<vmem>>
    %dma_wait3A_324 = arith.constant 896 : i32
    %dma_wait3A_325 = tpu.memref_slice %arg2[%select_n3A, %dma_wait3A_324, %mul3A_32] : memref<4x1024x1024xf32, #tpu.memory_space<hbm>> -> memref<1x128x128xf32, #tpu.memory_space<hbm>>
    %dma_wait3A_326 = tpu.memref_squeeze %dma_wait3A_325 : memref<1x128x128xf32, #tpu.memory_space<hbm>> -> memref<128x128xf32, #tpu.memory_space<hbm>>
    tpu.wait_dma2 semaphore(%arg7 : memref<!tpu.dma_semaphore, #tpu.memory_space<semaphore_mem>>) src(%dma_wait3A_326 : memref<128x128xf32, #tpu.memory_space<hbm>>) dst(%dma_wait3A_323 : memref<128x128xf32, #tpu.memory_space<vmem>>)
    %scan3A_327 = arith.constant 0 : i32
    %scan3A_328 = arith.constant 128 : i32
    %scan3A_329 = arith.addi %scan3A_327, %scan3A_328 : i32
    %scan3A_330 = arith.constant 1 : i32
    %scan3A_331:8 = scf.for %scan3A_364 = %scan3A_327 to %scan3A_329 step %scan3A_330 iter_args(%scan3A_365 = %scan3A_310#0, %scan3A_366 = %scan3A_310#1, %scan3A_367 = %scan3A_310#2, %scan3A_368 = %scan3A_310#3, %scan3A_369 = %scan3A_310#4, %scan3A_370 = %scan3A_310#5, %scan3A_371 = %scan3A_310#6, %scan3A_372 = %scan3A_310#7) -> (vector<16xf32>, vector<16xf32>, vector<16xf32>, vector<16xf32>, vector<16xf32>, vector<16xf32>, vector<16xf32>, vector<16xf32>)  : i32 {
      %get3A = arith.constant 1 : i32
      %get3A_373 = arith.index_cast %get3A : i32 to index
      %get3A_374 = arith.index_cast %scan3A_364 : i32 to index
      %get3A_375 = arith.constant 0 : index
      %get3A_376 = tpu.vector_load %arg4[%get3A_373, %get3A_374, %get3A_375] {strides = array<i32>} : memref<2x128x128xf32, #tpu.memory_space<vmem>>, vector<1x1x16xf32>,
      %get3A_377 = vector.shape_cast %get3A_376 : vector<1x1x16xf32> to vector<16xf32>
      %max3A = arith.maximumf %scan3A_365, %get3A_377 : vector<16xf32>
      %get3A_378 = arith.constant 1 : i32
      %get3A_379 = arith.index_cast %get3A_378 : i32 to index
      %get3A_380 = arith.index_cast %scan3A_364 : i32 to index
      %get3A_381 = arith.constant 16 : index
      %get3A_382 = tpu.vector_load %arg4[%get3A_379, %get3A_380, %get3A_381] {strides = array<i32>} : memref<2x128x128xf32, #tpu.memory_space<vmem>>, vector<1x1x16xf32>,
      %get3A_383 = vector.shape_cast %get3A_382 : vector<1x1x16xf32> to vector<16xf32>
      %max3A_384 = arith.maximumf %scan3A_366, %get3A_383 : vector<16xf32>
      %get3A_385 = arith.constant 1 : i32
      %get3A_386 = arith.index_cast %get3A_385 : i32 to index
      %get3A_387 = arith.index_cast %scan3A_364 : i32 to index
      %get3A_388 = arith.constant 32 : index
      %get3A_389 = tpu.vector_load %arg4[%get3A_386, %get3A_387, %get3A_388] {strides = array<i32>} : memref<2x128x128xf32, #tpu.memory_space<vmem>>, vector<1x1x16xf32>,
      %get3A_390 = vector.shape_cast %get3A_389 : vector<1x1x16xf32> to vector<16xf32>
      %max3A_391 = arith.maximumf %scan3A_367, %get3A_390 : vector<16xf32>
      %get3A_392 = arith.constant 1 : i32
      %get3A_393 = arith.index_cast %get3A_392 : i32 to index
      %get3A_394 = arith.index_cast %scan3A_364 : i32 to index
      %get3A_395 = arith.constant 48 : index
      %get3A_396 = tpu.vector_load %arg4[%get3A_393, %get3A_394, %get3A_395] {strides = array<i32>} : memref<2x128x128xf32, #tpu.memory_space<vmem>>, vector<1x1x16xf32>,
      %get3A_397 = vector.shape_cast %get3A_396 : vector<1x1x16xf32> to vector<16xf32>
      %max3A_398 = arith.maximumf %scan3A_368, %get3A_397 : vector<16xf32>
      %get3A_399 = arith.constant 1 : i32
      %get3A_400 = arith.index_cast %get3A_399 : i32 to index
      %get3A_401 = arith.index_cast %scan3A_364 : i32 to index
      %get3A_402 = arith.constant 64 : index
      %get3A_403 = tpu.vector_load %arg4[%get3A_400, %get3A_401, %get3A_402] {strides = array<i32>} : memref<2x128x128xf32, #tpu.memory_space<vmem>>, vector<1x1x16xf32>,
      %get3A_404 = vector.shape_cast %get3A_403 : vector<1x1x16xf32> to vector<16xf32>
      %max3A_405 = arith.maximumf %scan3A_369, %get3A_404 : vector<16xf32>
      %get3A_406 = arith.constant 1 : i32
      %get3A_407 = arith.index_cast %get3A_406 : i32 to index
      %get3A_408 = arith.index_cast %scan3A_364 : i32 to index
      %get3A_409 = arith.constant 80 : index
      %get3A_410 = tpu.vector_load %arg4[%get3A_407, %get3A_408, %get3A_409] {strides = array<i32>} : memref<2x128x128xf32, #tpu.memory_space<vmem>>, vector<1x1x16xf32>,
      %get3A_411 = vector.shape_cast %get3A_410 : vector<1x1x16xf32> to vector<16xf32>
      %max3A_412 = arith.maximumf %scan3A_370, %get3A_411 : vector<16xf32>
      %get3A_413 = arith.constant 1 : i32
      %get3A_414 = arith.index_cast %get3A_413 : i32 to index
      %get3A_415 = arith.index_cast %scan3A_364 : i32 to index
      %get3A_416 = arith.constant 96 : index
      %get3A_417 = tpu.vector_load %arg4[%get3A_414, %get3A_415, %get3A_416] {strides = array<i32>} : memref<2x128x128xf32, #tpu.memory_space<vmem>>, vector<1x1x16xf32>,
      %get3A_418 = vector.shape_cast %get3A_417 : vector<1x1x16xf32> to vector<16xf32>
      %max3A_419 = arith.maximumf %scan3A_371, %get3A_418 : vector<16xf32>
      %get3A_420 = arith.constant 1 : i32
      %get3A_421 = arith.index_cast %get3A_420 : i32 to index
      %get3A_422 = arith.index_cast %scan3A_364 : i32 to index
      %get3A_423 = arith.constant 112 : index
      %get3A_424 = tpu.vector_load %arg4[%get3A_421, %get3A_422, %get3A_423] {strides = array<i32>} : memref<2x128x128xf32, #tpu.memory_space<vmem>>, vector<1x1x16xf32>,
      %get3A_425 = vector.shape_cast %get3A_424 : vector<1x1x16xf32> to vector<16xf32>
      %max3A_426 = arith.maximumf %scan3A_372, %get3A_425 : vector<16xf32>
      scf.yield %max3A, %max3A_384, %max3A_391, %max3A_398, %max3A_405, %max3A_412, %max3A_419, %max3A_426 : vector<16xf32>, vector<16xf32>, vector<16xf32>, vector<16xf32>, vector<16xf32>, vector<16xf32>, vector<16xf32>, vector<16xf32>
    }
    %scan3A_332 = arith.constant 128 : i32
    %swap3A = arith.constant 0 : index
    %swap3A_333 = tpu.vector_load %arg5[%swap3A] {strides = array<i32>} : memref<128xf32, #tpu.memory_space<vmem>>, vector<16xf32>,
    %swap3A_334 = vector.shape_cast %swap3A_333 : vector<16xf32> to vector<16xf32>
    %swap3A_335 = vector.shape_cast %scan3A_331#0 : vector<16xf32> to vector<16xf32>
    tpu.vector_store %arg5[%swap3A], %swap3A_335 {strides = array<i32>} : memref<128xf32, #tpu.memory_space<vmem>>, vector<16xf32>,
    %swap3A_336 = arith.constant 16 : index
    %swap3A_337 = tpu.vector_load %arg5[%swap3A_336] {strides = array<i32>} : memref<128xf32, #tpu.memory_space<vmem>>, vector<16xf32>,
    %swap3A_338 = vector.shape_cast %swap3A_337 : vector<16xf32> to vector<16xf32>
    %swap3A_339 = vector.shape_cast %scan3A_331#1 : vector<16xf32> to vector<16xf32>
    tpu.vector_store %arg5[%swap3A_336], %swap3A_339 {strides = array<i32>} : memref<128xf32, #tpu.memory_space<vmem>>, vector<16xf32>,
    %swap3A_340 = arith.constant 32 : index
    %swap3A_341 = tpu.vector_load %arg5[%swap3A_340] {strides = array<i32>} : memref<128xf32, #tpu.memory_space<vmem>>, vector<16xf32>,
    %swap3A_342 = vector.shape_cast %swap3A_341 : vector<16xf32> to vector<16xf32>
    %swap3A_343 = vector.shape_cast %scan3A_331#2 : vector<16xf32> to vector<16xf32>
    tpu.vector_store %arg5[%swap3A_340], %swap3A_343 {strides = array<i32>} : memref<128xf32, #tpu.memory_space<vmem>>, vector<16xf32>,
    %swap3A_344 = arith.constant 48 : index
    %swap3A_345 = tpu.vector_load %arg5[%swap3A_344] {strides = array<i32>} : memref<128xf32, #tpu.memory_space<vmem>>, vector<16xf32>,
    %swap3A_346 = vector.shape_cast %swap3A_345 : vector<16xf32> to vector<16xf32>
    %swap3A_347 = vector.shape_cast %scan3A_331#3 : vector<16xf32> to vector<16xf32>
    tpu.vector_store %arg5[%swap3A_344], %swap3A_347 {strides = array<i32>} : memref<128xf32, #tpu.memory_space<vmem>>, vector<16xf32>,
    %swap3A_348 = arith.constant 64 : index
    %swap3A_349 = tpu.vector_load %arg5[%swap3A_348] {strides = array<i32>} : memref<128xf32, #tpu.memory_space<vmem>>, vector<16xf32>,
    %swap3A_350 = vector.shape_cast %swap3A_349 : vector<16xf32> to vector<16xf32>
    %swap3A_351 = vector.shape_cast %scan3A_331#4 : vector<16xf32> to vector<16xf32>
    tpu.vector_store %arg5[%swap3A_348], %swap3A_351 {strides = array<i32>} : memref<128xf32, #tpu.memory_space<vmem>>, vector<16xf32>,
    %swap3A_352 = arith.constant 80 : index
    %swap3A_353 = tpu.vector_load %arg5[%swap3A_352] {strides = array<i32>} : memref<128xf32, #tpu.memory_space<vmem>>, vector<16xf32>,
    %swap3A_354 = vector.shape_cast %swap3A_353 : vector<16xf32> to vector<16xf32>
    %swap3A_355 = vector.shape_cast %scan3A_331#5 : vector<16xf32> to vector<16xf32>
    tpu.vector_store %arg5[%swap3A_352], %swap3A_355 {strides = array<i32>} : memref<128xf32, #tpu.memory_space<vmem>>, vector<16xf32>,
    %swap3A_356 = arith.constant 96 : index
    %swap3A_357 = tpu.vector_load %arg5[%swap3A_356] {strides = array<i32>} : memref<128xf32, #tpu.memory_space<vmem>>, vector<16xf32>,
    %swap3A_358 = vector.shape_cast %swap3A_357 : vector<16xf32> to vector<16xf32>
    %swap3A_359 = vector.shape_cast %scan3A_331#6 : vector<16xf32> to vector<16xf32>
    tpu.vector_store %arg5[%swap3A_356], %swap3A_359 {strides = array<i32>} : memref<128xf32, #tpu.memory_space<vmem>>, vector<16xf32>,
    %swap3A_360 = arith.constant 112 : index
    %swap3A_361 = tpu.vector_load %arg5[%swap3A_360] {strides = array<i32>} : memref<128xf32, #tpu.memory_space<vmem>>, vector<16xf32>,
    %swap3A_362 = vector.shape_cast %swap3A_361 : vector<16xf32> to vector<16xf32>
    %swap3A_363 = vector.shape_cast %scan3A_331#7 : vector<16xf32> to vector<16xf32>
    tpu.vector_store %arg5[%swap3A_360], %swap3A_363 {strides = array<i32>} : memref<128xf32, #tpu.memory_space<vmem>>, vector<16xf32>,
    "tpu.region"() ({
      %run_scoped3A = tpu.sem_alloc : memref<!tpu.dma_semaphore, #tpu.memory_space<semaphore_mem>>
      %dma_start3A_364 = tpu.memref_slice %arg3[%select_n3A, %mul3A_32] : memref<4x1024xf32, #tpu.memory_space<hbm>> -> memref<1x128xf32, #tpu.memory_space<hbm>>
      %dma_start3A_365 = tpu.memref_squeeze %dma_start3A_364 : memref<1x128xf32, #tpu.memory_space<hbm>> -> memref<128xf32, #tpu.memory_space<hbm>>
      %dma_start3A_366 = tpu.memref_slice %arg3[%select_n3A, %mul3A_32] : memref<4x1024xf32, #tpu.memory_space<hbm>> -> memref<1x128xf32, #tpu.memory_space<hbm>>
      %dma_start3A_367 = tpu.memref_squeeze %dma_start3A_366 : memref<1x128xf32, #tpu.memory_space<hbm>> -> memref<128xf32, #tpu.memory_space<hbm>>
      tpu.enqueue_dma source(%arg5 : memref<128xf32, #tpu.memory_space<vmem>>) target(%dma_start3A_367 : memref<128xf32, #tpu.memory_space<hbm>>) target_semaphore(%run_scoped3A : memref<!tpu.dma_semaphore, #tpu.memory_space<semaphore_mem>>)
      %dma_wait3A_368 = tpu.memref_slice %arg3[%select_n3A, %mul3A_32] : memref<4x1024xf32, #tpu.memory_space<hbm>> -> memref<1x128xf32, #tpu.memory_space<hbm>>
      %dma_wait3A_369 = tpu.memref_squeeze %dma_wait3A_368 : memref<1x128xf32, #tpu.memory_space<hbm>> -> memref<128xf32, #tpu.memory_space<hbm>>
      %dma_wait3A_370 = tpu.memref_slice %arg3[%select_n3A, %mul3A_32] : memref<4x1024xf32, #tpu.memory_space<hbm>> -> memref<1x128xf32, #tpu.memory_space<hbm>>
      %dma_wait3A_371 = tpu.memref_squeeze %dma_wait3A_370 : memref<1x128xf32, #tpu.memory_space<hbm>> -> memref<128xf32, #tpu.memory_space<hbm>>
      tpu.wait_dma2 semaphore(%run_scoped3A : memref<!tpu.dma_semaphore, #tpu.memory_space<semaphore_mem>>) src(%arg5 : memref<128xf32, #tpu.memory_space<vmem>>) dst(%dma_wait3A_371 : memref<128xf32, #tpu.memory_space<hbm>>)
      tpu.yield
    }) : () -> ()
    return
  }
}

module attributes {stable_mosaic.version = 14 : i64} {
  func.func @_main_body(%arg0: i32, %arg1: i32, %arg2: memref<1x1024x256xf32, #tpu.memory_space<vmem>>, %arg3: memref<1x1024x256xf32, #tpu.memory_space<vmem>>, %arg4: memref<1x1024x256xf32, #tpu.memory_space<vmem>>, %arg5: memref<1x1x1024xf32, #tpu.memory_space<vmem>>, %arg6: memref<1x2048x256xf32, #tpu.memory_space<vmem>>, %arg7: memref<1x256x2048xf32, #tpu.memory_space<vmem>>, %arg8: memref<1x2048x256xf32, #tpu.memory_space<vmem>>) attributes {dimension_semantics = [#tpu.dimension_semantics<arbitrary>, #tpu.dimension_semantics<arbitrary>], iteration_bounds = array<i64: 4, 4>, scalar_prefetch = 0 : i64, scratch_operands = 0 : i64, tpu.core_type = #tpu.core_type<tc>, window_params = [{transform_indices = @transform_0, window_bounds = array<i64: 1, 1024, 256>}, {transform_indices = @transform_1, window_bounds = array<i64: 1, 1024, 256>}, {transform_indices = @transform_2, window_bounds = array<i64: 1, 1024, 256>}, {transform_indices = @transform_3, window_bounds = array<i64: 1, 1, 1024>}, {transform_indices = @transform_4, window_bounds = array<i64: 1, 2048, 256>}, {transform_indices = @transform_5, window_bounds = array<i64: 1, 256, 2048>}, {transform_indices = @transform_6, window_bounds = array<i64: 1, 2048, 256>}]} {
    %get3A = arith.constant 0 : index
    %get3A_0 = arith.constant 0 : index
    %get3A_1 = arith.constant 0 : index
    %get3A_2 = vector.load %arg2[%get3A, %get3A_0, %get3A_1] : memref<1x1024x256xf32, #tpu.memory_space<vmem>>, vector<1x1024x256xf32>
    %get3A_3 = vector.shape_cast %get3A_2 : vector<1x1024x256xf32> to vector<1024x256xf32>
    %get3A_4 = arith.constant 0 : index
    %get3A_5 = arith.constant 0 : index
    %get3A_6 = arith.constant 0 : index
    %get3A_7 = vector.load %arg3[%get3A_4, %get3A_5, %get3A_6] : memref<1x1024x256xf32, #tpu.memory_space<vmem>>, vector<1x1024x256xf32>
    %get3A_8 = vector.shape_cast %get3A_7 : vector<1x1024x256xf32> to vector<1024x256xf32>
    %get3A_9 = arith.constant 0 : index
    %get3A_10 = arith.constant 0 : index
    %get3A_11 = arith.constant 0 : index
    %get3A_12 = vector.load %arg4[%get3A_9, %get3A_10, %get3A_11] : memref<1x1024x256xf32, #tpu.memory_space<vmem>>, vector<1x1024x256xf32>
    %get3A_13 = vector.shape_cast %get3A_12 : vector<1x1024x256xf32> to vector<1024x256xf32>
    %get3A_14 = arith.constant 0 : index
    %get3A_15 = arith.constant 0 : index
    %get3A_16 = arith.constant 0 : index
    %get3A_17 = vector.load %arg5[%get3A_14, %get3A_15, %get3A_16] : memref<1x1x1024xf32, #tpu.memory_space<vmem>>, vector<1x1x1024xf32>
    %get3A_18 = vector.shape_cast %get3A_17 : vector<1x1x1024xf32> to vector<1024xf32>
    %add3A = arith.addf %get3A_3, %get3A_13 : vector<1024x256xf32>
    %logistic3A = arith.negf %add3A : vector<1024x256xf32>
    %logistic3A_19 = math.exp %logistic3A : vector<1024x256xf32>
    %logistic3A_20 = arith.constant 1.000000e+00 : f32
    %logistic3A_21 = vector.broadcast %logistic3A_20 : f32 to vector<1024x256xf32>
    %logistic3A_22 = arith.addf %logistic3A_21, %logistic3A_19 : vector<1024x256xf32>
    %logistic3A_23 = arith.divf %logistic3A_21, %logistic3A_22 : vector<1024x256xf32>
    %mul3A = arith.mulf %logistic3A_23, %get3A_8 : vector<1024x256xf32>
    %mul3A_24 = arith.mulf %mul3A, %get3A_3 : vector<1024x256xf32>
    %broadcast_in_dim3A = vector.shape_cast %get3A_18 : vector<1024xf32> to vector<1024x1xf32>
    %mul3A_25 = vector.broadcast %broadcast_in_dim3A : vector<1024x1xf32> to vector<1024x256xf32>
    %mul3A_26 = arith.mulf %mul3A, %mul3A_25 : vector<1024x256xf32>
    %broadcast_in_dim3A_27 = vector.shape_cast %broadcast_in_dim3A : vector<1024x1xf32> to vector<1024x1xf32>
    %broadcast_in_dim3A_28 = vector.broadcast %broadcast_in_dim3A_27 : vector<1024x1xf32> to vector<1024x256xf32>
    %swap3A = arith.constant 0 : index
    %swap3A_29 = arith.constant 0 : index
    %swap3A_30 = arith.constant 0 : index
    %swap3A_31 = vector.load %arg6[%swap3A, %swap3A_29, %swap3A_30] : memref<1x2048x256xf32, #tpu.memory_space<vmem>>, vector<1x1024x256xf32>
    %swap3A_32 = vector.shape_cast %swap3A_31 : vector<1x1024x256xf32> to vector<1024x256xf32>
    %swap3A_33 = vector.shape_cast %get3A_3 : vector<1024x256xf32> to vector<1x1024x256xf32>
    tpu.vector_store %arg6[%swap3A, %swap3A_29, %swap3A_30], %swap3A_33 {strides = array<i32>} : memref<1x2048x256xf32, #tpu.memory_space<vmem>>, vector<1x1024x256xf32>,
    %swap3A_34 = arith.constant 0 : index
    %swap3A_35 = arith.constant 1024 : index
    %swap3A_36 = arith.constant 0 : index
    %swap3A_37 = vector.load %arg6[%swap3A_34, %swap3A_35, %swap3A_36] : memref<1x2048x256xf32, #tpu.memory_space<vmem>>, vector<1x1024x256xf32>
    %swap3A_38 = vector.shape_cast %swap3A_37 : vector<1x1024x256xf32> to vector<1024x256xf32>
    %swap3A_39 = vector.shape_cast %broadcast_in_dim3A_28 : vector<1024x256xf32> to vector<1x1024x256xf32>
    tpu.vector_store %arg6[%swap3A_34, %swap3A_35, %swap3A_36], %swap3A_39 {strides = array<i32>} : memref<1x2048x256xf32, #tpu.memory_space<vmem>>, vector<1x1024x256xf32>,
    %add3A_40 = arith.addf %get3A_3, %mul3A_24 : vector<1024x256xf32>
    %swap3A_41 = arith.constant 0 : index
    %swap3A_42 = arith.constant 0 : index
    %swap3A_43 = arith.constant 0 : index
    %swap3A_44 = vector.load %arg8[%swap3A_41, %swap3A_42, %swap3A_43] : memref<1x2048x256xf32, #tpu.memory_space<vmem>>, vector<1x1024x256xf32>
    %swap3A_45 = vector.shape_cast %swap3A_44 : vector<1x1024x256xf32> to vector<1024x256xf32>
    %swap3A_46 = vector.shape_cast %add3A_40 : vector<1024x256xf32> to vector<1x1024x256xf32>
    tpu.vector_store %arg8[%swap3A_41, %swap3A_42, %swap3A_43], %swap3A_46 {strides = array<i32>} : memref<1x2048x256xf32, #tpu.memory_space<vmem>>, vector<1x1024x256xf32>,
    %add3A_47 = arith.addf %broadcast_in_dim3A_28, %mul3A_26 : vector<1024x256xf32>
    %swap3A_48 = arith.constant 0 : index
    %swap3A_49 = arith.constant 1024 : index
    %swap3A_50 = arith.constant 0 : index
    %swap3A_51 = vector.load %arg8[%swap3A_48, %swap3A_49, %swap3A_50] : memref<1x2048x256xf32, #tpu.memory_space<vmem>>, vector<1x1024x256xf32>
    %swap3A_52 = vector.shape_cast %swap3A_51 : vector<1x1024x256xf32> to vector<1024x256xf32>
    %swap3A_53 = vector.shape_cast %add3A_47 : vector<1024x256xf32> to vector<1x1024x256xf32>
    tpu.vector_store %arg8[%swap3A_48, %swap3A_49, %swap3A_50], %swap3A_53 {strides = array<i32>} : memref<1x2048x256xf32, #tpu.memory_space<vmem>>, vector<1x1024x256xf32>,
    %transpose3A = tpu.transpose %mul3A_24, [1, 0] : vector<1024x256xf32> -> vector<256x1024xf32>
    %swap3A_54 = arith.constant 0 : index
    %swap3A_55 = arith.constant 0 : index
    %swap3A_56 = arith.constant 0 : index
    %swap3A_57 = vector.load %arg7[%swap3A_54, %swap3A_55, %swap3A_56] : memref<1x256x2048xf32, #tpu.memory_space<vmem>>, vector<1x256x1024xf32>
    %swap3A_58 = vector.shape_cast %swap3A_57 : vector<1x256x1024xf32> to vector<256x1024xf32>
    %swap3A_59 = vector.shape_cast %transpose3A : vector<256x1024xf32> to vector<1x256x1024xf32>
    tpu.vector_store %arg7[%swap3A_54, %swap3A_55, %swap3A_56], %swap3A_59 {strides = array<i32>} : memref<1x256x2048xf32, #tpu.memory_space<vmem>>, vector<1x256x1024xf32>,
    %transpose3A_60 = tpu.transpose %mul3A_26, [1, 0] : vector<1024x256xf32> -> vector<256x1024xf32>
    %swap3A_61 = arith.constant 0 : index
    %swap3A_62 = arith.constant 0 : index
    %swap3A_63 = arith.constant 1024 : index
    %swap3A_64 = vector.load %arg7[%swap3A_61, %swap3A_62, %swap3A_63] : memref<1x256x2048xf32, #tpu.memory_space<vmem>>, vector<1x256x1024xf32>
    %swap3A_65 = vector.shape_cast %swap3A_64 : vector<1x256x1024xf32> to vector<256x1024xf32>
    %swap3A_66 = vector.shape_cast %transpose3A_60 : vector<256x1024xf32> to vector<1x256x1024xf32>
    tpu.vector_store %arg7[%swap3A_61, %swap3A_62, %swap3A_63], %swap3A_66 {strides = array<i32>} : memref<1x256x2048xf32, #tpu.memory_space<vmem>>, vector<1x256x1024xf32>,
    return
  }
  func.func @transform_0(%arg0: i32, %arg1: i32) -> (i32, i32, i32) {
    %c0_i32 = arith.constant 0 : i32
    %c0_i32_0 = arith.constant 0 : i32
    return %arg0, %c0_i32, %arg1 : i32, i32, i32
  }
  func.func @transform_1(%arg0: i32, %arg1: i32) -> (i32, i32, i32) {
    %c0_i32 = arith.constant 0 : i32
    %c0_i32_0 = arith.constant 0 : i32
    return %arg0, %c0_i32, %arg1 : i32, i32, i32
  }
  func.func @transform_2(%arg0: i32, %arg1: i32) -> (i32, i32, i32) {
    %c0_i32 = arith.constant 0 : i32
    %c0_i32_0 = arith.constant 0 : i32
    return %arg0, %c0_i32, %arg1 : i32, i32, i32
  }
  func.func @transform_3(%arg0: i32, %arg1: i32) -> (i32, i32, i32) {
    %c0_i32 = arith.constant 0 : i32
    %c0_i32_0 = arith.constant 0 : i32
    %c0_i32_1 = arith.constant 0 : i32
    return %arg0, %c0_i32, %c0_i32_0 : i32, i32, i32
  }
  func.func @transform_4(%arg0: i32, %arg1: i32) -> (i32, i32, i32) {
    %c0_i32 = arith.constant 0 : i32
    %c0_i32_0 = arith.constant 0 : i32
    return %arg0, %c0_i32, %arg1 : i32, i32, i32
  }
  func.func @transform_5(%arg0: i32, %arg1: i32) -> (i32, i32, i32) {
    %c0_i32 = arith.constant 0 : i32
    %c0_i32_0 = arith.constant 0 : i32
    return %arg0, %arg1, %c0_i32 : i32, i32, i32
  }
  func.func @transform_6(%arg0: i32, %arg1: i32) -> (i32, i32, i32) {
    %c0_i32 = arith.constant 0 : i32
    %c0_i32_0 = arith.constant 0 : i32
    return %arg0, %c0_i32, %arg1 : i32, i32, i32
  }
}

</mosaic_0001>

<sc_bundles>
// kernel: kernel.4.cloned.1.call-start
scs
__scs_entry_jumppad:
0x0: {  	(pc) =	sbr.rel $0x88, $3  }
0x1: {  	(tag) =	ssettag $0x0;
	lr =	simm.s32 $0x1  }
0x2: {  	[smem:$0x3F9D] =	sst lr;
	_ =	strace $0xD0000000  }
0x3: {  	_ = 	snop  }
0x4: {  	_ = 	snop  }
0x5: {  	_ = 	snop  }
0x6: {  	_ = 	snop  }
0x7: {  	_ = 	snop  }
__scs_overlays_trampoline_lowered:
0x8: {  	[smem:$0x3FAC] =	sst s0  }
0x9: {  	[smem:$0x3FAD] =	sst s1  }
0xa: {  	[smem:$0x3FAE] =	sst s2  }
0xb: {  	[smem:$0x3FAF] =	sst s3  }
0xc: {  	[smem:$0x3FB0] =	sst s4  }
0xd: {  	[smem:$0x3FB1] =	sst s5  }
0xe: {  	[smem:$0x3FB2] =	sst s6  }
0xf: {  	[smem:$0x3FB3] =	sst s7  }
0x10: {  	[smem:$0x3FB4] =	sst s8  }
0x11: {  	[smem:$0x3FB5] =	sst s9;
	s0 =	simm.s32 @!p0 $0x0  }
0x12: {  	s1 =	sld [smem:$0x3F9B];
	s0 =	simm.s32 @p0 $0x1  }
0x13: {  	[smem:$0x3FB6] =	sst s0;
	s0 =	simm.s32 @!p1 $0x0  }
0x14: {  	s2 =	sld [smem:$0x3F9A];
	s0 =	simm.s32 @p1 $0x1  }
0x15: {  	[smem:$0x3FB7] =	sst s0;
	s0 =	simm.s32 @!p2 $0x0  }
0x16: {  	s3 =	sld [smem:$0x3FDB];
	s0 =	simm.s32 @p2 $0x1  }
0x17: {  	s4 =	simm.s32 $0x1BF5;
	[smem:$0x3FB9] =	sst s0  }
0x18: {  	s0 =	sld [smem:$0x3F9C];
	_ =	swait.ge [sflag:s4], $0x0  }
0x19: {  	s7 =	sld [smem:$0x3F9D]  }
0x1a: {  	s8 =	sadd.s32 $0xFFFFE003, lr  }
0x1b: {  	s9 =	sadd.s32 $0xFFFFFEF7, lr;
	s5 =	simm.s32 $0xFFFFFFFF;
	p2 =	slt.u32 s8, $0xFFFFF086  }
0x1c: {  	p1 =	slt.u32 s9, $0xF7A;
	s5 =	simm.s32 @!p2 $0x0  }
0x1d: {  	s5 =	simm.s32 @p1 $0x1;
	p0 =	seq.s32 s7, s2  }
0x1e: {  	s7 =	smul.u32 @!p0 $0xF7A, s2;
	p2 =	seq.s32 @!p0 s5, $0x0  }
0x1f: {  	s9 =	smul.u32 $0xF7A, s1;
	s8 =	simm.s32 @!p0 $0x1BF5;
	p2 =	por !p2, p0  }
0x20: {  	[sflag:s8] =	ssyncset.s32 @!p0 $0xFFFFF086;
	s6 =	sadd.s32 @!p0 s3, s7;
	s7 =	simm.s32 @!p0 $0x108  }
0x21: {  	s3 =	sadd.s32 s3, s9;
	s6 =	sadd.s32 @!p0 $0x88, s6;
	s7 =	simm.s32 @p2 $0x1082  }
0x22: {  	[simem:s7], [sflag:s8] =	dma.local @!p0 [hbm:s6], $0xF7A  }
0x23: {  	s9 =	sor.u32 $0xD0000000, s2;
	s6 =	simm.s32 $0x108;
	_ =	swait.ge @!p0 [sflag:s8], $0x0  }
0x24: {  	s3 =	sadd.s32 $0x88, s3;
	s6 =	simm.s32 @!p1 $0x1082;
	[sflag:s4] =	ssyncset.s32 $0xFFFFF086  }
0x25: {  	[simem:s6], [sflag:s4] =	dma.local [hbm:s3], $0xF7A  }
0x26: {  	[smem:$0x3F9D] =	sst s1;
	(tag) =	ssettag s2;
	_ =	strace s9  }
0x27: {  	s1 =	sld [smem:$0x3FAD]  }
0x28: {  	s2 =	sld [smem:$0x3FAE]  }
0x29: {  	s4 =	sld [smem:$0x3FB0]  }
0x2a: {  	p0 =	seq.s32 s5, $0x0;
	s5 =	sld [smem:$0x3FB1]  }
0x2b: {  	s6 =	sld [smem:$0x3FB2]  }
0x2c: {  	s7 =	sld [smem:$0x3FB3]  }
0x2d: {  	s3 =	simm.s32 $0x108;
	s8 =	sld [smem:$0x3FB4]  }
0x2e: {  	s3 =	simm.s32 @!p0 $0x1082;
	s9 =	sld [smem:$0x3FB5]  }
0x2f: {  	lr =	sadd.s32 s0, s3;
	s0 =	sld [smem:$0x3FAC]  }
0x30: {  	s3 =	sld [smem:$0x3FAF]  }
0x31: {  	[smem:$0x3FB8] =	sst s10  }
0x32: {  	s10 =	sld [smem:$0x3FB6];
	_ =	sdelay $0x3  }
0x33: {  	p0 =	seq.s32 s10, $0x1;
	s10 =	sld [smem:$0x3FB8];
	_ =	sdelay $0x3  }
0x34: {  	[smem:$0x3FB8] =	sst s10  }
0x35: {  	s10 =	sld [smem:$0x3FB7];
	_ =	sdelay $0x3  }
0x36: {  	p1 =	seq.s32 s10, $0x1;
	s10 =	sld [smem:$0x3FB8];
	_ =	sdelay $0x3  }
0x37: {  	[smem:$0x3FB8] =	sst s10  }
0x38: {  	s10 =	sld [smem:$0x3FB9]  }
0x39: {  	_ = 	snop;
	(pc) =	sbr.ind lr, $3  }
0x3a: {  	_ = 	snop  }
0x3b: {  	_ = 	snop  }
0x3c: {  	p2 =	seq.s32 s10, $0x1;
	s10 =	sld [smem:$0x3FB8]  }
0x3d: {  	_ =	shalt  }
0x3e: {  	_ =	shalt  }
0x3f: {  	_ =	shalt  }
0x40: {  	_ =	shalt  }
0x41: {  	_ =	shalt  }
0x42: {  	_ =	shalt  }
0x43: {  	_ =	shalt  }
0x44: {  	_ =	shalt  }
0x45: {  	_ =	shalt  }
0x46: {  	_ =	shalt  }
0x47: {  	_ =	shalt  }
0x48: {  	_ =	shalt  }
0x49: {  	_ =	shalt  }
0x4a: {  	_ =	shalt  }
0x4b: {  	_ =	shalt  }
0x4c: {  	_ =	shalt  }
0x4d: {  	_ =	shalt  }
0x4e: {  	_ =	shalt  }
0x4f: {  	_ =	shalt  }
0x50: {  	_ =	shalt  }
0x51: {  	_ =	shalt  }
0x52: {  	_ =	shalt  }
0x53: {  	_ =	shalt  }
0x54: {  	_ =	shalt  }
0x55: {  	_ =	shalt  }
0x56: {  	_ =	shalt  }
0x57: {  	_ =	shalt  }
0x58: {  	_ =	shalt  }
0x59: {  	_ =	shalt  }
0x5a: {  	_ =	shalt  }
0x5b: {  	_ =	shalt  }
0x5c: {  	_ =	shalt  }
0x5d: {  	_ =	shalt  }
0x5e: {  	_ =	shalt  }
0x5f: {  	_ =	shalt  }
0x60: {  	_ =	shalt  }
0x61: {  	_ =	shalt  }
0x62: {  	_ =	shalt  }
0x63: {  	_ =	shalt  }
0x64: {  	_ =	shalt  }
0x65: {  	_ =	shalt  }
0x66: {  	_ =	shalt  }
0x67: {  	_ =	shalt  }
0x68: {  	_ =	shalt  }
0x69: {  	_ =	shalt  }
0x6a: {  	_ =	shalt  }
0x6b: {  	_ =	shalt  }
0x6c: {  	_ =	shalt  }
0x6d: {  	_ =	shalt  }
0x6e: {  	_ =	shalt  }
0x6f: {  	_ =	shalt  }
0x70: {  	_ =	shalt  }
0x71: {  	_ =	shalt  }
0x72: {  	_ =	shalt  }
0x73: {  	_ =	shalt  }
0x74: {  	_ =	shalt  }
0x75: {  	_ =	shalt  }
0x76: {  	_ =	shalt  }
0x77: {  	_ =	shalt  }
0x78: {  	_ =	shalt  }
0x79: {  	_ =	shalt  }
0x7a: {  	_ =	shalt  }
0x7b: {  	_ =	shalt  }
0x7c: {  	_ =	shalt  }
0x7d: {  	_ =	shalt  }
0x7e: {  	_ =	shalt  }
0x7f: {  	_ =	shalt  }
0x80: {  	_ =	shalt  }
0x81: {  	_ =	shalt  }
0x82: {  	_ =	shalt  }
0x83: {  	_ =	shalt  }
0x84: {  	_ =	shalt  }
0x85: {  	_ =	shalt  }
0x86: {  	_ =	shalt  }
0x87: {  	_ =	shalt  }
.Lfunc_end0:
.L_simem_size_0:
called_computation_lowered:
.L_overlay_start_0:
0x88: {  	s2 =	sld [smem:$0x3FD9]  }
0x89: {  	s3 =	sld [smem:$0x3FFE];
	_ =	sdelay $0x1  }
0x8a: {  	s1 =	srdreg.scid  }
0x8b: {  	s0 =	sand.u32 $0x1, s1  }
0x8c: {  	s15 =	sshll.u32 s0, $0xA;
	s2 =	sadd.s32 s3, s2  }
0x8d: {  	s2 =	sadd.s32 s2, s15  }
0x8e: {  	[smem:$0x3FC4] =	sst s2  }
0x8f: {  	_ = 	snop  }
0x90: {  	s2 =	sld [smem:$0x3FD0];
	_ =	sdelay $0x2  }
0x91: {  	s4 =	simm.s32 $0xA;
	s5 =	simm.s32 $0x10;
	s16 =	sld [smem:$0x3FC7]  }
0x92: {  	[smem:s5], [sflag:s4] =	dma.local [hbm:s2], $0x1  }
0x93: {  	_ =	swait.eq [sflag:s4], $0x1  }
0x94: {  	[sflag:s4] =	ssyncset.done $0x0  }
0x95: {  	[sflag:s4] =	ssyncadd.s32 $0xFFFFFFFF  }
0x96: {  	s17 =	sld [smem:$0x12];
	(tm) =	ssettm $0x1  }
0x97: {  	s18 =	sld [smem:$0x3FFB];
	_ =	sdelay $0x3  }
0x98: {  	_ =	strace s18  }
0x99: {  	s4 =	sld [smem:$0x3FFC];
	_ =	sdelay $0x3  }
0x9a: {  	_ =	strace s4  }
0x9b: {  	s4 =	sld [smem:$0x3FFD];
	_ =	sdelay $0x3  }
0x9c: {  	_ =	strace s4  }
0x9d: {  	_ =	strace $0x8FFFFFFF  }
0x9e: {  	s19 =	sld [smem:$0x3FDB];
	_ =	sdelay $0x1  }
0x9f: {  	s20 =	simm.s32 $_scs_section_size  }
0xa0: {  	s6 =	simm.s32 $_size__tile_overlayer_lowered;
	s7 =	simm.s32 $_tile_overlayer_lowered  }
0xa1: {  	s23 =	simm.s32 $0x1BFF;
	s22 =	sshll.u32 s7, $0x1;
	s4 =	sadd.s32 s20, s19  }
0xa2: {  	s8 =	simm.s32 $0x0;
	s21 =	sshll.u32 s6, $0x1;
	s6 =	sadd.s32 s22, s4  }
0xa3: {  	[timem:s8], [sflag:s23] =	dma.local [hbm:s6], s21  }
0xa4: {  	_ =	swait.ge [sflag:s23], s21  }
0xa5: {  	s5 =	ssub.s32 $0x0, s21;
	[sflag:s23] =	ssyncset.done $0x0  }
0xa6: {  	[sflag:s23] =	ssyncadd.s32 s5;
	_ =	sdelay $0x1  }
0xa7: {  	s24 =	simm.s32 $0x1B8B  }
0xa8: {  	_ =	swait.ge [sflag:s24], $0x1  }
0xa9: {  	[sflag:s24] =	ssyncset.done $0x0  }
0xaa: {  	s25 =	simm.s32 $0x1B8E;
	[sflag:s24] =	ssyncadd.s32 $0xFFFFFFFF  }
0xab: {  	s26 =	simm.s32 $execute0_lowered;
	[smem:$0x3FD2] =	sst s25  }
0xac: {  	s5 =	sshll.u32 s26, $0x1;
	_ =	strace $0x80000046;
	[dreg:$0x1] =	wrdreg $0xFFFFFFFF  }
0xad: {  	s28 =	simm.s32 $_size_execute0_lowered;
	s4 =	sadd.s32 s4, s5;
	[dreg:$0x0] =	wrdreg $0x0  }
0xae: {  	s5 =	sshll.u32 s28, $0x1;
	[dreg:$0x2] =	wrdreg s4  }
0xaf: {  	[dreg:$0x3] =	wrdreg s5  }
0xb0: {  	[dreg:$0x4] =	wrdreg $0xC0  }
0xb1: {  	_ =	task [dreg:s8], $0x5FFFF  }
0xb2: {  	[dreg:$0x1] =	wrdreg $0xFFFFFFFF  }
0xb3: {  	[dreg:$0x0] =	wrdreg $0x60  }
0xb4: {  	[dreg:$0x2] =	wrdreg s16  }
0xb5: {  	[dreg:$0x3] =	wrdreg s17  }
0xb6: {  	[dreg:$0x4] =	wrdreg $0x9  }
0xb7: {  	_ =	task.clear_ibuf [dreg:s8], $0x5FFFF;
	_ =	strace $0x90000046  }
0xb8: {  	s29 =	simm.s32 $0x9;
	_ =	strace $0x80000048  }
0xb9: {  	_ =	swait.ge [sflag:s29], $0x1  }
0xba: {  	[sflag:s29] =	ssyncadd.s32 $0xFFFFFFFF  }
0xbb: {  	_ =	strace $0x90000048  }
0xbc: {  	_ =	sfence  }
0xbd: {  	s30 =	sld [smem:$0x0];
	_ =	sdelay $0x2  }
0xbe: {  	s31 =	sshll.u32 s1, $0xD;
	s1 =	sshrl.u32 s1, $0x2  }
0xbf: {  	s3 =	sand.u32 $0x4000, s31;
	s1 =	sadd.s32 s1, s30  }
0xc0: {  	s0 =	sor.u32 s3, s0;
	s1 =	sshll.u32 s1, $0x11  }
0xc1: {  	s0 =	sor.u32 s1, s0  }
0xc2: {  	s0 =	sadd.s32 $0x8F2B, s0  }
0xc3: {  	[sflag:s0] =	ssyncadd.remote.s32 $0x1  }
0xc4: {  	_ =	sfence.sel $0xFFFF  }
0xc5: {  	[dreg:$0x0] =	wrdreg $0xFFFFFFFF;
	(pc) =	sbr.abs _section_cstart, $3  }
0xc6: {  	[dreg:$0x1] =	wrdreg $0xFFFFFFFF  }
0xc7: {  	_ =	task.clear_ibuf [dreg:s8], $0x2FFFF;
	_ =	strace $0x9FFFFFFF  }
0xc8: {  	(tm) =	ssettm $0x7FFFFFFF  }
0xc9: {  	_ =	shalt  }
tec
execute0_lowered:
.L_overlay_start_1:
0x0: {  	(tag) =	ssettag $0x1  }
0x1: {  	s0 =	stileid.u32;
	s3 =	rddreg [dreg:$0x0]  }
0x2: {  	s1 =	srdreg.scid;
	s9 =	rddreg [dreg:$0x1]  }
0x3: {  	s14 =	simm.s32 $0x2000;
	s15 =	simm.s32 $0x4000;
	s16 =	simm.s32 $0x1  }
0x4: {  	s17 =	simm.s32 $0x2;
	s18 =	simm.s32 $0x8000;
	s19 =	simm.s32 $0x3  }
0x5: {  	s20 =	simm.s32 $0x0;
	s2 =	sshll.u32 s0, $0x1;
	s4 =	sand.u32 $0x1, s1  }
0x6: {  	s1 =	rddreg [dreg:$0x2];
	s8 =	sshrl.u32 s0, $0x2;
	s2 =	sand.u32 $0x6, s2  }
0x7: {  	s5 =	sshll.u32 s8, $0x11;
	s11 =	sshll.u32 s8, $0x4;
	s10 =	sor.u32 s4, s2  }
0x8: {  	s2 =	simm.s32 $0x0;
	s4 =	ssub.s32 $0x2, s4;
	s11 =	sadd.s32 s9, s11  }
0x9: {  	s6 =	sshll.u32 s10, $0x7;
	[smem:$0x7FF] =	sst s2;
	s31 =	sshrl.u32 s4, $0x1  }
0xa: {  	s13 =	sshll.u32 s10, $0x6;
	s5 =	sor.u32 s5, s6;
	_ =	strace $0x80000047  }
0xb: {  	s12 =	ssub.s32 s4, s31;
	s11 =	sadd.s32 s13, s11;
	s3 =	sadd.s32 s3, s5  }
0xc: {  	s13 =	simm.s32 $0x400;
	s12 =	smax.u32 s12, $0x1;
	s4 =	sadd.s32 $0x4000, s3  }
0xd: {  	s5 =	sadd.s32 $0x8000, s3;
	s6 =	sadd.s32 $0xC000, s3;
	s7 =	sadd.s32 $0x10000, s3  }
0xe: {  	s8 =	sadd.s32 $0x14000, s3;
	s9 =	sadd.s32 $0x18000, s3;
	s10 =	sadd.s32 $0x1C000, s3  }
.LBB2_1:
0xf: {  	[tilespmem:s2], [sflag:$0x1] =	stream.strided.gather [hbm4b:s3+s13], $0x4000, s14, s13, $0x38;
	[tilespmem:$0x8080] =	vst v63  }
0x10: {  	_ = 	snop  }
0x11: {  	[tilespmem:s15], [sflag:$0x2] =	stream.strided.gather [hbm4b:s4+s13], $0x4000, s14, s13, $0x38;
	[tilespmem:$0x8080] =	vst v63  }
0x12: {  	_ =	swait.ge [sflag:s16], $0x4000  }
0x13: {  	[sflag:s16] =	ssyncset.done $0x0  }
0x14: {  	s23 =	simm.s32 $0x0;
	[sflag:s16] =	ssyncadd.s32 $0xFFFFC000  }
0x15: {  	v0 =	vld [tilespmem:s23+$0x70]  }
0x16: {  	v1 =	vld [tilespmem:s23+$0x0]  }
0x17: {  	v2 =	vld [tilespmem:s23+$0x10]  }
0x18: {  	v5 =	vld [tilespmem:s23+$0x20]  }
0x19: {  	v6 =	vld [tilespmem:s23+$0x30]  }
0x1a: {  	v3 =	vimm.f32 $-Inf;
	v4 =	vimm.f32 $-Inf;
	v7 =	vld [tilespmem:s23+$0x40]  }
0x1b: {  	v8 =	vimm.f32 $-Inf;
	v10 =	vimm.f32 $-Inf;
	v9 =	vimm.f32 $-Inf;
	v11 =	vld [tilespmem:s23+$0x50]  }
0x1c: {  	s21 =	simm.s32 $0x80;
	s22 =	simm.s32 $0x400;
	v12 =	vld [tilespmem:s23+$0x60];
	v0 =	vmax.f32 v3, v0;
	v1 =	vmax.f32 v3, v1;
	v2 =	vmax.f32 v3, v2  }
.LBB2_2:
0x1d: {  	p0 =	sne.s32 s22, $0xFE00;
	v13 =	vld [tilespmem:s21+$0x70];
	v3 =	vmax.f32 v3, v5  }
0x1e: {  	v14 =	vld [tilespmem:s21+$0x0];
	v4 =	vmax.f32 v4, v6  }
0x1f: {  	v15 =	vld [tilespmem:s21+$0x10];
	v8 =	vmax.f32 v8, v7  }
.Ltmp0:
0x20: {  	v5 =	vld [tilespmem:s21+$0x20];
	v10 =	vmax.f32 v10, v11;
	(pc) =	sbr.rel @p0 .LBB2_2-.Ltmp0, $4  }
0x21: {  	v6 =	vld [tilespmem:s21+$0x30];
	v9 =	vmax.f32 v9, v12  }
0x22: {  	v7 =	vld [tilespmem:s21+$0x40];
	v0 =	vmax.f32 v0, v13  }
0x23: {  	v1 =	vmax.f32 v1, v14;
	v11 =	vld [tilespmem:s21+$0x50]  }
0x24: {  	v2 =	vmax.f32 v2, v15;
	v12 =	vld [tilespmem:s21+$0x60];
	s21 =	sshra.s32 s22, $0x2;
	s22 =	sadd.s32 $0x200, s22  }
0x25: {  	v13 =	vld [tilespmem:s21+$0x70]  }
0x26: {  	v14 =	vld [tilespmem:s21+$0x0]  }
0x27: {  	v15 =	vld [tilespmem:s21+$0x10]  }
0x28: {  	v16 =	vld [tilespmem:s21+$0x20]  }
0x29: {  	v17 =	vld [tilespmem:s21+$0x30]  }
0x2a: {  	v18 =	vld [tilespmem:s21+$0x40]  }
0x2b: {  	v19 =	vld [tilespmem:s21+$0x50];
	s31 =	simm.s32 $0x0  }
0x2c: {  	v20 =	vld [tilespmem:s21+$0x60];
	[tilespmem:s31], [sflag:$0x1] =	stream.strided.gather [hbm4b:s5+s13], $0x4000, s14, s13, $0x38  }
0x2d: {  	_ =	swait.ge [sflag:s17], $0x4000  }
0x2e: {  	[sflag:s17] =	ssyncset.done $0x0  }
0x2f: {  	s23 =	simm.s32 $0x0;
	[sflag:s17] =	ssyncadd.s32 $0xFFFFC000  }
0x30: {  	v21 =	vld [tilespmem:s23+$0x4070]  }
0x31: {  	v22 =	vld [tilespmem:s23+$0x4000]  }
0x32: {  	v3 =	vmax.f32 v3, v5;
	v23 =	vld [tilespmem:s23+$0x4010]  }
0x33: {  	v4 =	vmax.f32 v4, v6;
	v5 =	vmax.f32 v8, v7;
	v6 =	vmax.f32 v10, v11;
	v8 =	vld [tilespmem:s23+$0x4020]  }
0x34: {  	v7 =	vmax.f32 v9, v12;
	v12 =	vmax.f32 v0, v13;
	v13 =	vmax.f32 v1, v14;
	v9 =	vld [tilespmem:s23+$0x4030]  }
0x35: {  	v14 =	vmax.f32 v2, v15;
	v2 =	vmax.f32 v3, v16;
	v0 =	vmax.f32 v4, v17;
	v10 =	vld [tilespmem:s23+$0x4040]  }
0x36: {  	v3 =	vmax.f32 v5, v18;
	v4 =	vmax.f32 v6, v19;
	v1 =	vmax.f32 v7, v20;
	v11 =	vld [tilespmem:s23+$0x4050]  }
0x37: {  	s21 =	simm.s32 $0x80;
	s22 =	simm.s32 $0x400;
	v5 =	vmax.f32 v12, v21;
	v6 =	vmax.f32 v13, v22;
	v7 =	vmax.f32 v14, v23;
	v12 =	vld [tilespmem:s23+$0x4060]  }
.LBB2_4:
0x38: {  	p0 =	sne.s32 s22, $0xFE00;
	v13 =	vld [tilespmem:s21+$0x4070];
	v2 =	vmax.f32 v2, v8  }
0x39: {  	v14 =	vld [tilespmem:s21+$0x4000];
	v0 =	vmax.f32 v0, v9  }
0x3a: {  	v15 =	vld [tilespmem:s21+$0x4010];
	v3 =	vmax.f32 v3, v10  }
.Ltmp1:
0x3b: {  	v8 =	vld [tilespmem:s21+$0x4020];
	v4 =	vmax.f32 v4, v11;
	(pc) =	sbr.rel @p0 .LBB2_4-.Ltmp1, $4  }
0x3c: {  	v9 =	vld [tilespmem:s21+$0x4030];
	v1 =	vmax.f32 v1, v12  }
0x3d: {  	v10 =	vld [tilespmem:s21+$0x4040];
	v5 =	vmax.f32 v5, v13  }
0x3e: {  	v6 =	vmax.f32 v6, v14;
	v11 =	vld [tilespmem:s21+$0x4050]  }
0x3f: {  	v7 =	vmax.f32 v7, v15;
	v12 =	vld [tilespmem:s21+$0x4060];
	s21 =	sshra.s32 s22, $0x2;
	s22 =	sadd.s32 $0x200, s22  }
0x40: {  	v13 =	vld [tilespmem:s21+$0x4070]  }
0x41: {  	v14 =	vld [tilespmem:s21+$0x4000]  }
0x42: {  	v15 =	vld [tilespmem:s21+$0x4010]  }
0x43: {  	v16 =	vld [tilespmem:s21+$0x4020]  }
0x44: {  	v17 =	vld [tilespmem:s21+$0x4030]  }
0x45: {  	v18 =	vld [tilespmem:s21+$0x4040]  }
0x46: {  	v19 =	vld [tilespmem:s21+$0x4050]  }
0x47: {  	v20 =	vld [tilespmem:s21+$0x4060];
	[tilespmem:s15], [sflag:$0x2] =	stream.strided.gather [hbm4b:s6+s13], $0x4000, s14, s13, $0x38  }
0x48: {  	_ =	swait.ge [sflag:s16], $0x4000  }
0x49: {  	[sflag:s16] =	ssyncset.done $0x0  }
0x4a: {  	s23 =	simm.s32 $0x0;
	[sflag:s16] =	ssyncadd.s32 $0xFFFFC000  }
0x4b: {  	v21 =	vld [tilespmem:s23+$0x70]  }
0x4c: {  	v22 =	vld [tilespmem:s23+$0x0]  }
0x4d: {  	v2 =	vmax.f32 v2, v8;
	v23 =	vld [tilespmem:s23+$0x10]  }
0x4e: {  	v0 =	vmax.f32 v0, v9;
	v3 =	vmax.f32 v3, v10;
	v4 =	vmax.f32 v4, v11;
	v8 =	vld [tilespmem:s23+$0x20]  }
0x4f: {  	v1 =	vmax.f32 v1, v12;
	v9 =	vld [tilespmem:s23+$0x30];
	v5 =	vmax.f32 v5, v13;
	v6 =	vmax.f32 v6, v14  }
0x50: {  	v10 =	vld [tilespmem:s23+$0x40];
	v7 =	vmax.f32 v7, v15;
	v2 =	vmax.f32 v2, v16;
	v0 =	vmax.f32 v0, v17  }
0x51: {  	v11 =	vld [tilespmem:s23+$0x50];
	v3 =	vmax.f32 v3, v18;
	v4 =	vmax.f32 v4, v19;
	v1 =	vmax.f32 v1, v20  }
0x52: {  	s21 =	simm.s32 $0x80;
	s22 =	simm.s32 $0x400;
	v12 =	vld [tilespmem:s23+$0x60];
	v5 =	vmax.f32 v5, v21;
	v6 =	vmax.f32 v6, v22;
	v7 =	vmax.f32 v7, v23  }
.LBB2_6:
0x53: {  	p0 =	sne.s32 s22, $0xFE00;
	v13 =	vld [tilespmem:s21+$0x70];
	v2 =	vmax.f32 v2, v8  }
0x54: {  	v14 =	vld [tilespmem:s21+$0x0];
	v0 =	vmax.f32 v0, v9  }
0x55: {  	v15 =	vld [tilespmem:s21+$0x10];
	v3 =	vmax.f32 v3, v10  }
.Ltmp2:
0x56: {  	v8 =	vld [tilespmem:s21+$0x20];
	v4 =	vmax.f32 v4, v11;
	(pc) =	sbr.rel @p0 .LBB2_6-.Ltmp2, $4  }
0x57: {  	v9 =	vld [tilespmem:s21+$0x30];
	v1 =	vmax.f32 v1, v12  }
0x58: {  	v10 =	vld [tilespmem:s21+$0x40];
	v5 =	vmax.f32 v5, v13  }
0x59: {  	v6 =	vmax.f32 v6, v14;
	v11 =	vld [tilespmem:s21+$0x50]  }
0x5a: {  	v7 =	vmax.f32 v7, v15;
	v12 =	vld [tilespmem:s21+$0x60];
	s21 =	sshra.s32 s22, $0x2;
	s22 =	sadd.s32 $0x200, s22  }
0x5b: {  	v13 =	vld [tilespmem:s21+$0x70]  }
0x5c: {  	v14 =	vld [tilespmem:s21+$0x0]  }
0x5d: {  	v15 =	vld [tilespmem:s21+$0x10]  }
0x5e: {  	v16 =	vld [tilespmem:s21+$0x20]  }
0x5f: {  	v17 =	vld [tilespmem:s21+$0x30]  }
0x60: {  	v18 =	vld [tilespmem:s21+$0x40]  }
0x61: {  	v19 =	vld [tilespmem:s21+$0x50];
	s31 =	simm.s32 $0x0  }
0x62: {  	v20 =	vld [tilespmem:s21+$0x60];
	[tilespmem:s31], [sflag:$0x1] =	stream.strided.gather [hbm4b:s7+s13], $0x4000, s14, s13, $0x38  }
0x63: {  	_ =	swait.ge [sflag:s17], $0x4000  }
0x64: {  	[sflag:s17] =	ssyncset.done $0x0  }
0x65: {  	s23 =	simm.s32 $0x0;
	[sflag:s17] =	ssyncadd.s32 $0xFFFFC000  }
0x66: {  	v21 =	vld [tilespmem:s23+$0x4070]  }
0x67: {  	v22 =	vld [tilespmem:s23+$0x4000]  }
0x68: {  	v2 =	vmax.f32 v2, v8;
	v23 =	vld [tilespmem:s23+$0x4010]  }
0x69: {  	v0 =	vmax.f32 v0, v9;
	v3 =	vmax.f32 v3, v10;
	v4 =	vmax.f32 v4, v11;
	v8 =	vld [tilespmem:s23+$0x4020]  }
0x6a: {  	v1 =	vmax.f32 v1, v12;
	v5 =	vmax.f32 v5, v13;
	v6 =	vmax.f32 v6, v14;
	v9 =	vld [tilespmem:s23+$0x4030]  }
0x6b: {  	v7 =	vmax.f32 v7, v15;
	v2 =	vmax.f32 v2, v16;
	v0 =	vmax.f32 v0, v17;
	v10 =	vld [tilespmem:s23+$0x4040]  }
0x6c: {  	v3 =	vmax.f32 v3, v18;
	v4 =	vmax.f32 v4, v19;
	v1 =	vmax.f32 v1, v20;
	v11 =	vld [tilespmem:s23+$0x4050]  }
0x6d: {  	s21 =	simm.s32 $0x80;
	s22 =	simm.s32 $0x400;
	v12 =	vld [tilespmem:s23+$0x4060];
	v5 =	vmax.f32 v5, v21;
	v6 =	vmax.f32 v6, v22;
	v7 =	vmax.f32 v7, v23  }
.LBB2_8:
0x6e: {  	p0 =	sne.s32 s22, $0xFE00;
	v13 =	vld [tilespmem:s21+$0x4070];
	v2 =	vmax.f32 v2, v8  }
0x6f: {  	v14 =	vld [tilespmem:s21+$0x4000];
	v0 =	vmax.f32 v0, v9  }
0x70: {  	v15 =	vld [tilespmem:s21+$0x4010];
	v3 =	vmax.f32 v3, v10  }
.Ltmp3:
0x71: {  	v8 =	vld [tilespmem:s21+$0x4020];
	v4 =	vmax.f32 v4, v11;
	(pc) =	sbr.rel @p0 .LBB2_8-.Ltmp3, $4  }
0x72: {  	v9 =	vld [tilespmem:s21+$0x4030];
	v1 =	vmax.f32 v1, v12  }
0x73: {  	v10 =	vld [tilespmem:s21+$0x4040];
	v5 =	vmax.f32 v5, v13  }
0x74: {  	v6 =	vmax.f32 v6, v14;
	v11 =	vld [tilespmem:s21+$0x4050]  }
0x75: {  	v7 =	vmax.f32 v7, v15;
	v12 =	vld [tilespmem:s21+$0x4060];
	s21 =	sshra.s32 s22, $0x2;
	s22 =	sadd.s32 $0x200, s22  }
0x76: {  	v13 =	vld [tilespmem:s21+$0x4070]  }
0x77: {  	v14 =	vld [tilespmem:s21+$0x4000]  }
0x78: {  	v15 =	vld [tilespmem:s21+$0x4010]  }
0x79: {  	v16 =	vld [tilespmem:s21+$0x4020]  }
0x7a: {  	v17 =	vld [tilespmem:s21+$0x4030]  }
0x7b: {  	v18 =	vld [tilespmem:s21+$0x4040]  }
0x7c: {  	v19 =	vld [tilespmem:s21+$0x4050]  }
0x7d: {  	v20 =	vld [tilespmem:s21+$0x4060];
	[tilespmem:s15], [sflag:$0x2] =	stream.strided.gather [hbm4b:s8+s13], $0x4000, s14, s13, $0x38  }
0x7e: {  	_ =	swait.ge [sflag:s16], $0x4000  }
0x7f: {  	[sflag:s16] =	ssyncset.done $0x0  }
0x80: {  	s23 =	simm.s32 $0x0;
	[sflag:s16] =	ssyncadd.s32 $0xFFFFC000  }
0x81: {  	v21 =	vld [tilespmem:s23+$0x70]  }
0x82: {  	v22 =	vld [tilespmem:s23+$0x0]  }
0x83: {  	v2 =	vmax.f32 v2, v8;
	v23 =	vld [tilespmem:s23+$0x10]  }
0x84: {  	v0 =	vmax.f32 v0, v9;
	v3 =	vmax.f32 v3, v10;
	v4 =	vmax.f32 v4, v11;
	v8 =	vld [tilespmem:s23+$0x20]  }
0x85: {  	v1 =	vmax.f32 v1, v12;
	v9 =	vld [tilespmem:s23+$0x30];
	v5 =	vmax.f32 v5, v13;
	v6 =	vmax.f32 v6, v14  }
0x86: {  	v10 =	vld [tilespmem:s23+$0x40];
	v7 =	vmax.f32 v7, v15;
	v2 =	vmax.f32 v2, v16;
	v0 =	vmax.f32 v0, v17  }
0x87: {  	v11 =	vld [tilespmem:s23+$0x50];
	v3 =	vmax.f32 v3, v18;
	v4 =	vmax.f32 v4, v19;
	v1 =	vmax.f32 v1, v20  }
0x88: {  	s21 =	simm.s32 $0x80;
	s22 =	simm.s32 $0x400;
	v12 =	vld [tilespmem:s23+$0x60];
	v5 =	vmax.f32 v5, v21;
	v6 =	vmax.f32 v6, v22;
	v7 =	vmax.f32 v7, v23  }
.LBB2_10:
0x89: {  	p0 =	sne.s32 s22, $0xFE00;
	v13 =	vld [tilespmem:s21+$0x70];
	v2 =	vmax.f32 v2, v8  }
0x8a: {  	v14 =	vld [tilespmem:s21+$0x0];
	v0 =	vmax.f32 v0, v9  }
0x8b: {  	v15 =	vld [tilespmem:s21+$0x10];
	v3 =	vmax.f32 v3, v10  }
.Ltmp4:
0x8c: {  	v8 =	vld [tilespmem:s21+$0x20];
	v4 =	vmax.f32 v4, v11;
	(pc) =	sbr.rel @p0 .LBB2_10-.Ltmp4, $4  }
0x8d: {  	v9 =	vld [tilespmem:s21+$0x30];
	v1 =	vmax.f32 v1, v12  }
0x8e: {  	v10 =	vld [tilespmem:s21+$0x40];
	v5 =	vmax.f32 v5, v13  }
0x8f: {  	v6 =	vmax.f32 v6, v14;
	v11 =	vld [tilespmem:s21+$0x50]  }
0x90: {  	v7 =	vmax.f32 v7, v15;
	v12 =	vld [tilespmem:s21+$0x60];
	s21 =	sshra.s32 s22, $0x2;
	s22 =	sadd.s32 $0x200, s22  }
0x91: {  	v13 =	vld [tilespmem:s21+$0x70]  }
0x92: {  	v14 =	vld [tilespmem:s21+$0x0]  }
0x93: {  	v15 =	vld [tilespmem:s21+$0x10]  }
0x94: {  	v16 =	vld [tilespmem:s21+$0x20]  }
0x95: {  	v17 =	vld [tilespmem:s21+$0x30]  }
0x96: {  	v18 =	vld [tilespmem:s21+$0x40]  }
0x97: {  	v19 =	vld [tilespmem:s21+$0x50];
	s31 =	simm.s32 $0x0  }
0x98: {  	v20 =	vld [tilespmem:s21+$0x60];
	[tilespmem:s31], [sflag:$0x1] =	stream.strided.gather [hbm4b:s9+s13], $0x4000, s14, s13, $0x38  }
0x99: {  	_ =	swait.ge [sflag:s17], $0x4000  }
0x9a: {  	[sflag:s17] =	ssyncset.done $0x0  }
0x9b: {  	s23 =	simm.s32 $0x0;
	[sflag:s17] =	ssyncadd.s32 $0xFFFFC000  }
0x9c: {  	v21 =	vld [tilespmem:s23+$0x4070]  }
0x9d: {  	v22 =	vld [tilespmem:s23+$0x4000]  }
0x9e: {  	v2 =	vmax.f32 v2, v8;
	v23 =	vld [tilespmem:s23+$0x4010]  }
0x9f: {  	v0 =	vmax.f32 v0, v9;
	v3 =	vmax.f32 v3, v10;
	v4 =	vmax.f32 v4, v11;
	v8 =	vld [tilespmem:s23+$0x4020]  }
0xa0: {  	v1 =	vmax.f32 v1, v12;
	v5 =	vmax.f32 v5, v13;
	v6 =	vmax.f32 v6, v14;
	v9 =	vld [tilespmem:s23+$0x4030]  }
0xa1: {  	v7 =	vmax.f32 v7, v15;
	v2 =	vmax.f32 v2, v16;
	v0 =	vmax.f32 v0, v17;
	v10 =	vld [tilespmem:s23+$0x4040]  }
0xa2: {  	v3 =	vmax.f32 v3, v18;
	v4 =	vmax.f32 v4, v19;
	v1 =	vmax.f32 v1, v20;
	v11 =	vld [tilespmem:s23+$0x4050]  }
0xa3: {  	s21 =	simm.s32 $0x80;
	s22 =	simm.s32 $0x400;
	v12 =	vld [tilespmem:s23+$0x4060];
	v5 =	vmax.f32 v5, v21;
	v6 =	vmax.f32 v6, v22;
	v7 =	vmax.f32 v7, v23  }
.LBB2_12:
0xa4: {  	p0 =	sne.s32 s22, $0xFE00;
	v13 =	vld [tilespmem:s21+$0x4070];
	v2 =	vmax.f32 v2, v8  }
0xa5: {  	v14 =	vld [tilespmem:s21+$0x4000];
	v0 =	vmax.f32 v0, v9  }
0xa6: {  	v15 =	vld [tilespmem:s21+$0x4010];
	v3 =	vmax.f32 v3, v10  }
.Ltmp5:
0xa7: {  	v8 =	vld [tilespmem:s21+$0x4020];
	v4 =	vmax.f32 v4, v11;
	(pc) =	sbr.rel @p0 .LBB2_12-.Ltmp5, $4  }
0xa8: {  	v9 =	vld [tilespmem:s21+$0x4030];
	v1 =	vmax.f32 v1, v12  }
0xa9: {  	v10 =	vld [tilespmem:s21+$0x4040];
	v5 =	vmax.f32 v5, v13  }
0xaa: {  	v6 =	vmax.f32 v6, v14;
	v11 =	vld [tilespmem:s21+$0x4050]  }
0xab: {  	v7 =	vmax.f32 v7, v15;
	v12 =	vld [tilespmem:s21+$0x4060];
	s21 =	sshra.s32 s22, $0x2;
	s22 =	sadd.s32 $0x200, s22  }
0xac: {  	v13 =	vld [tilespmem:s21+$0x4070]  }
0xad: {  	v14 =	vld [tilespmem:s21+$0x4000]  }
0xae: {  	v15 =	vld [tilespmem:s21+$0x4010]  }
0xaf: {  	v16 =	vld [tilespmem:s21+$0x4020]  }
0xb0: {  	v17 =	vld [tilespmem:s21+$0x4030]  }
0xb1: {  	v18 =	vld [tilespmem:s21+$0x4040]  }
0xb2: {  	v19 =	vld [tilespmem:s21+$0x4050]  }
0xb3: {  	v20 =	vld [tilespmem:s21+$0x4060];
	[tilespmem:s15], [sflag:$0x2] =	stream.strided.gather [hbm4b:s10+s13], $0x4000, s14, s13, $0x38  }
0xb4: {  	_ =	swait.ge [sflag:s16], $0x4000  }
0xb5: {  	[sflag:s16] =	ssyncset.done $0x0  }
0xb6: {  	s23 =	simm.s32 $0x0;
	[sflag:s16] =	ssyncadd.s32 $0xFFFFC000  }
0xb7: {  	v21 =	vld [tilespmem:s23+$0x70]  }
0xb8: {  	v22 =	vld [tilespmem:s23+$0x0]  }
0xb9: {  	v2 =	vmax.f32 v2, v8;
	v23 =	vld [tilespmem:s23+$0x10]  }
0xba: {  	v0 =	vmax.f32 v0, v9;
	v3 =	vmax.f32 v3, v10;
	v4 =	vmax.f32 v4, v11;
	v8 =	vld [tilespmem:s23+$0x20]  }
0xbb: {  	v1 =	vmax.f32 v1, v12;
	v9 =	vld [tilespmem:s23+$0x30];
	v5 =	vmax.f32 v5, v13;
	v6 =	vmax.f32 v6, v14  }
0xbc: {  	v10 =	vld [tilespmem:s23+$0x40];
	v7 =	vmax.f32 v7, v15;
	v2 =	vmax.f32 v2, v16;
	v0 =	vmax.f32 v0, v17  }
0xbd: {  	v11 =	vld [tilespmem:s23+$0x50];
	v3 =	vmax.f32 v3, v18;
	v4 =	vmax.f32 v4, v19;
	v1 =	vmax.f32 v1, v20  }
0xbe: {  	s21 =	simm.s32 $0x80;
	s22 =	simm.s32 $0x400;
	v12 =	vld [tilespmem:s23+$0x60];
	v5 =	vmax.f32 v5, v21;
	v6 =	vmax.f32 v6, v22;
	v7 =	vmax.f32 v7, v23  }
.LBB2_14:
0xbf: {  	p0 =	sne.s32 s22, $0xFE00;
	v13 =	vld [tilespmem:s21+$0x70];
	v2 =	vmax.f32 v2, v8  }
0xc0: {  	v14 =	vld [tilespmem:s21+$0x0];
	v0 =	vmax.f32 v0, v9  }
0xc1: {  	v15 =	vld [tilespmem:s21+$0x10];
	v3 =	vmax.f32 v3, v10  }
.Ltmp6:
0xc2: {  	v8 =	vld [tilespmem:s21+$0x20];
	v4 =	vmax.f32 v4, v11;
	(pc) =	sbr.rel @p0 .LBB2_14-.Ltmp6, $4  }
0xc3: {  	v9 =	vld [tilespmem:s21+$0x30];
	v1 =	vmax.f32 v1, v12  }
0xc4: {  	v10 =	vld [tilespmem:s21+$0x40];
	v5 =	vmax.f32 v5, v13  }
0xc5: {  	v6 =	vmax.f32 v6, v14;
	v11 =	vld [tilespmem:s21+$0x50]  }
0xc6: {  	v7 =	vmax.f32 v7, v15;
	v12 =	vld [tilespmem:s21+$0x60];
	s21 =	sshra.s32 s22, $0x2;
	s22 =	sadd.s32 $0x200, s22  }
0xc7: {  	v13 =	vld [tilespmem:s21+$0x70]  }
0xc8: {  	v14 =	vld [tilespmem:s21+$0x0]  }
0xc9: {  	v15 =	vld [tilespmem:s21+$0x10]  }
0xca: {  	v16 =	vld [tilespmem:s21+$0x20]  }
0xcb: {  	v17 =	vld [tilespmem:s21+$0x30]  }
0xcc: {  	v18 =	vld [tilespmem:s21+$0x40]  }
0xcd: {  	v19 =	vld [tilespmem:s21+$0x50]  }
0xce: {  	v20 =	vld [tilespmem:s21+$0x60];
	_ =	swait.ge [sflag:s17], $0x4000  }
0xcf: {  	[sflag:s17] =	ssyncset.done $0x0  }
0xd0: {  	s23 =	simm.s32 $0x0;
	[sflag:s17] =	ssyncadd.s32 $0xFFFFC000  }
0xd1: {  	v21 =	vld [tilespmem:s23+$0x4070]  }
0xd2: {  	v22 =	vld [tilespmem:s23+$0x4000]  }
0xd3: {  	v2 =	vmax.f32 v2, v8;
	v23 =	vld [tilespmem:s23+$0x4010]  }
0xd4: {  	v0 =	vmax.f32 v0, v9;
	v3 =	vmax.f32 v3, v10;
	v9 =	vmax.f32 v4, v11;
	v8 =	vld [tilespmem:s23+$0x4020]  }
0xd5: {  	v1 =	vmax.f32 v1, v12;
	v10 =	vmax.f32 v5, v13;
	v11 =	vmax.f32 v6, v14;
	v6 =	vld [tilespmem:s23+$0x4030]  }
0xd6: {  	v12 =	vmax.f32 v7, v15;
	v5 =	vmax.f32 v2, v16;
	v4 =	vmax.f32 v0, v17;
	v7 =	vld [tilespmem:s23+$0x4040]  }
0xd7: {  	v3 =	vmax.f32 v3, v18;
	v2 =	vmax.f32 v9, v19;
	v1 =	vmax.f32 v1, v20;
	v9 =	vld [tilespmem:s23+$0x4050]  }
0xd8: {  	s21 =	simm.s32 $0x80;
	s22 =	simm.s32 $0x400;
	v0 =	vmax.f32 v10, v21;
	v11 =	vmax.f32 v11, v22;
	v12 =	vmax.f32 v12, v23;
	v10 =	vld [tilespmem:s23+$0x4060]  }
.LBB2_16:
0xd9: {  	p0 =	sne.s32 s22, $0xFE00;
	v13 =	vld [tilespmem:s21+$0x4070];
	v5 =	vmax.f32 v5, v8  }
0xda: {  	v14 =	vld [tilespmem:s21+$0x4000];
	v4 =	vmax.f32 v4, v6  }
0xdb: {  	v15 =	vld [tilespmem:s21+$0x4010];
	v3 =	vmax.f32 v3, v7  }
.Ltmp7:
0xdc: {  	v8 =	vld [tilespmem:s21+$0x4020];
	v2 =	vmax.f32 v2, v9;
	(pc) =	sbr.rel @p0 .LBB2_16-.Ltmp7, $4  }
0xdd: {  	v6 =	vld [tilespmem:s21+$0x4030];
	v1 =	vmax.f32 v1, v10  }
0xde: {  	v7 =	vld [tilespmem:s21+$0x4040];
	v0 =	vmax.f32 v0, v13  }
0xdf: {  	v11 =	vmax.f32 v11, v14;
	v9 =	vld [tilespmem:s21+$0x4050]  }
0xe0: {  	v12 =	vmax.f32 v12, v15;
	v10 =	vld [tilespmem:s21+$0x4060];
	s21 =	sshra.s32 s22, $0x2;
	s22 =	sadd.s32 $0x200, s22  }
0xe1: {  	v13 =	vld [tilespmem:s21+$0x4070]  }
0xe2: {  	v14 =	vld [tilespmem:s21+$0x4000]  }
0xe3: {  	v15 =	vld [tilespmem:s21+$0x4010]  }
0xe4: {  	v16 =	vld [tilespmem:s21+$0x4020]  }
0xe5: {  	v17 =	vld [tilespmem:s21+$0x4030]  }
0xe6: {  	v18 =	vld [tilespmem:s21+$0x4040]  }
0xe7: {  	v19 =	vld [tilespmem:s21+$0x4050];
	v11 =	vmax.f32 v11, v14  }
0xe8: {  	v62 =	vld [tilespmem:s21+$0x4060];
	v5 =	vmax.f32 v5, v8;
	v63 =	vmax.f32 v12, v15;
	[tilespmem:$0x8000] =	vst v11  }
0xe9: {  	v4 =	vmax.f32 v4, v6;
	v5 =	vmax.f32 v5, v16;
	[tilespmem:$0x8010] =	vst v63  }
0xea: {  	v3 =	vmax.f32 v3, v7;
	v4 =	vmax.f32 v4, v17;
	[tilespmem:$0x8020] =	vst v5  }
0xeb: {  	v2 =	vmax.f32 v2, v9;
	v3 =	vmax.f32 v3, v18;
	[tilespmem:$0x8030] =	vst v4  }
0xec: {  	v1 =	vmax.f32 v1, v10;
	v2 =	vmax.f32 v2, v19;
	[tilespmem:$0x8040] =	vst v3  }
0xed: {  	s20 =	sadd.s32 $0x1, s20;
	v1 =	vmax.f32 v1, v62;
	[tilespmem:$0x8050] =	vst v2  }
0xee: {  	p0 =	sne.s32 s20, s12;
	v0 =	vmax.f32 v0, v13;
	[tilespmem:$0x8060] =	vst v1  }
.Ltmp8:
0xef: {  	[tilespmem:$0x8070] =	vst v0;
	(pc) =	sbr.rel @p0 .LBB2_1-.Ltmp8, $4  }
0xf0: {  	[hbm4b:s11+s2] =	stream.linear.scatter [tilespmem:s18], [sflag:$0x3], $0x80, $0x38;
	[tilespmem:$0x8080] =	vst v63  }
0xf1: {  	_ =	swait.ge [sflag:s19], $0x80  }
0xf2: {  	[sflag:s19] =	ssyncset.done $0x0  }
0xf3: {  	[sflag:s19] =	ssyncadd.s32 $0xFFFFFF80  }
0xf4: {  	_ =	sfence.sel $0x180000  }
0xf5: {  	[bflag:$0x0] =	sbarrier.arrive $0xFFFF  }
0xf6: {  	p0 =	sne.s32 s0, $0x0;
	_ =	strace $0x90000047  }
0xf7: {  	s0 =	sadd.s32 @!p0 $0x100000, s1;
	[bflag:$0x2] =	sbarrier.arrive $0xFFFF  }
0xf8: {  	[sflag:s0] =	ssyncadd.tile.s32 @!p0 $0x1;
	_ =	shalt  }
.Lfunc_end2:
_tile_overlayer_lowered:
.L_overlay_start_2:
0xf9: {  	(tag) =	ssettag $0x2  }
0xfa: {  	s0 =	rddreg [dreg:$0x0];
	s2 =	stileid.u32  }
0xfb: {  	s1 =	rddreg [dreg:$0x1];
	p0 =	sne.s32 s2, $0x0  }
0xfc: {  	s3 =	rddreg [dreg:$0x2];
	[bflag:$0x3] =	sbarrier.arrive $0xFFFF;
	s2 =	simm.s32 @!p0 $0x1C03  }
0xfd: {  	[timem:s3], [sflag:s2] =	dma.local @!p0 [hbm:s0], s1  }
0xfe: {  	s0 =	simm.s32 @!p0 $0x3  }
0xff: {  	_ =	swait.ge @!p0 [sflag:s0], s1  }
0x100: {  	s1 =	ssub.s32 @!p0 $0x0, s1;
	[sflag:s0] =	ssyncset.done @!p0 $0x0  }
0x101: {  	[sflag:s0] =	ssyncadd.s32 @!p0 s1  }
0x102: {  	[bflag:$0x3] =	sbarrier.arrive $0xFFFF  }
0x103: {  	_ =	shalt  }

</sc_bundles>
